<compile_context>
chip_gen: v7x
topology: tpu7x:2x2x1
jax: 0.10.2.dev20260603
libtpu: 0.0.44.dev20260713+nightly
codegen_flags: <defaults>
</compile_context>

<pallas_src>
import functools

import jax
import jax.numpy as jnp
from jax.experimental import pallas as pl

_N = 8192
_N1 = 1639
_N2 = 410
_K = 64
_EPS = 1e-5


def _dot(x, w):
    return jnp.dot(x.astype(jnp.bfloat16), w.astype(jnp.bfloat16),
                   preferred_element_type=jnp.float32)



def _fps_body(px_ref, py_ref, pz_ref, idx_ref, *, num):
    px = px_ref[...]
    py = py_ref[...]
    pz = pz_ref[...]
    lanes = px.shape[1]
    fi = (jax.lax.broadcasted_iota(jnp.int32, px.shape, 0) * lanes
          + jax.lax.broadcasted_iota(jnp.int32, px.shape, 1))
    x0 = jnp.sum(jnp.where(fi == 0, px, 0.0))
    y0 = jnp.sum(jnp.where(fi == 0, py, 0.0))
    z0 = jnp.sum(jnp.where(fi == 0, pz, 0.0))
    d = (px - x0) ** 2 + (py - y0) ** 2 + (pz - z0) ** 2
    idx_ref[0, :] = jnp.zeros((lanes,), jnp.int32)

    def body(i, d):
        mx = jnp.max(d)
        nxt = jnp.min(jnp.where(d == mx, fi, jnp.int32(1 << 30)))
        idx_ref[pl.ds(i, 1), :] = jnp.full((1, lanes), nxt, jnp.int32)
        sel = fi == nxt
        xs = jnp.sum(jnp.where(sel, px, 0.0))
        ys = jnp.sum(jnp.where(sel, py, 0.0))
        zs = jnp.sum(jnp.where(sel, pz, 0.0))
        dn = (px - xs) ** 2 + (py - ys) ** 2 + (pz - zs) ** 2
        return jnp.minimum(d, dn)

    jax.lax.fori_loop(1, num, body, d)


def _fps(pos, num):
    n = pos.shape[0]
    npad = ((n + 127) // 128) * 128
    if npad > n:
        pos = jnp.concatenate(
            [pos, jnp.broadcast_to(pos[0], (npad - n, 3))], axis=0)
    rows = npad // 128
    px = pos[:, 0].reshape(rows, 128)
    py = pos[:, 1].reshape(rows, 128)
    pz = pos[:, 2].reshape(rows, 128)
    num_pad = ((num + 7) // 8) * 8
    out = pl.pallas_call(
        functools.partial(_fps_body, num=num),
        out_shape=jax.ShapeDtypeStruct((num_pad, 128), jnp.int32),
    )(px, py, pz)
    return out[:num, 0]



def _mm_first_body(x_ref, w_ref, b_ref, z_ref):
    z_ref[...] = _dot(x_ref[...], w_ref[...]) + b_ref[...]


def _bn_mm_body(z_ref, mu_ref, var_ref, g_ref, bt_ref, w_ref, b_ref, o_ref):
    y = (g_ref[...] * (z_ref[...] - mu_ref[...])
         / jnp.sqrt(var_ref[...] + _EPS) + bt_ref[...])
    y = jnp.maximum(y, 0.0)
    o_ref[...] = _dot(y, w_ref[...]) + b_ref[...]


def _mm_layer(body, extra, x, W, b, blk):
    rows, cin = x.shape
    cout = W.shape[1]
    nb = rows // blk
    in_specs = [pl.BlockSpec((blk, cin), lambda i: (i, 0))]
    args = [x]
    for arr in extra:
        in_specs.append(pl.BlockSpec(arr.shape, lambda i: (0, 0)))
        args.append(arr)
    in_specs += [pl.BlockSpec((cin, cout), lambda i: (0, 0)),
                 pl.BlockSpec((1, cout), lambda i: (0, 0))]
    args += [W, b.reshape(1, -1)]
    return pl.pallas_call(
        body,
        grid=(nb,),
        in_specs=in_specs,
        out_specs=pl.BlockSpec((blk, cout), lambda i: (i, 0)),
        out_shape=jax.ShapeDtypeStruct((rows, cout), jnp.float32),
    )(*args)


def _mlp_grid(x, layers, mask, blk):
    rows_real = mask.shape[0] if mask is not None else x.shape[0]
    z = _mm_layer(_mm_first_body, [], x, layers[0]["W"], layers[0]["b"], blk)
    for i in range(1, len(layers)):
        zin = z[:rows_real]
        if mask is not None:
            m = mask[:, None]
            cnt = jnp.maximum(jnp.sum(m), 1.0)
            mean = jnp.sum(zin * m, axis=0) / cnt
            var = jnp.sum(((zin - mean) ** 2) * m, axis=0) / cnt
        else:
            mean = jnp.mean(zin, axis=0)
            var = jnp.mean((zin - mean) ** 2, axis=0)
        p = layers[i - 1]
        z = _mm_layer(_bn_mm_body,
                      [mean.reshape(1, -1), var.reshape(1, -1),
                       p["g"].reshape(1, -1), p["bt"].reshape(1, -1)],
                      z, layers[i]["W"], layers[i]["b"], blk)
    return z



def _mlp_single_body(*refs, nlayers, use_bn):
    x = refs[0][...]
    k = 1
    for i in range(nlayers):
        W = refs[k][...]
        b = refs[k + 1][...]
        k += 2
        z = _dot(x, W) + b
        if i < nlayers - 1:
            if use_bn:
                g = refs[k][...]
                bt = refs[k + 1][...]
                k += 2
                mean = jnp.mean(z, axis=0, keepdims=True)
                var = jnp.mean((z - mean) ** 2, axis=0, keepdims=True)
                z = g * (z - mean) / jnp.sqrt(var + _EPS) + bt
            z = jnp.maximum(z, 0.0)
        x = z
    refs[-1][...] = x


def _mlp_single(x, layers, use_bn=True):
    args = [x]
    for i, p in enumerate(layers):
        args += [p["W"], p["b"].reshape(1, -1)]
        if use_bn and i < len(layers) - 1:
            args += [p["g"].reshape(1, -1), p["bt"].reshape(1, -1)]
    cout = layers[-1]["W"].shape[1]
    return pl.pallas_call(
        functools.partial(_mlp_single_body, nlayers=len(layers),
                          use_bn=use_bn),
        out_shape=jax.ShapeDtypeStruct((x.shape[0], cout), jnp.float32),
    )(*args)


def _mlp_rowwise(x, layers, blk):
    rows, cin = x.shape
    nb = rows // blk
    in_specs = [pl.BlockSpec((blk, cin), lambda i: (i, 0))]
    args = [x]
    for p in layers:
        ws = p["W"].shape
        in_specs.append(pl.BlockSpec(ws, lambda i: (0, 0)))
        in_specs.append(pl.BlockSpec((1, ws[1]), lambda i: (0, 0)))
        args += [p["W"], p["b"].reshape(1, -1)]
    cout = layers[-1]["W"].shape[1]
    return pl.pallas_call(
        functools.partial(_mlp_single_body, nlayers=len(layers),
                          use_bn=False),
        grid=(nb,),
        in_specs=in_specs,
        out_specs=pl.BlockSpec((blk, cout), lambda i: (i, 0)),
        out_shape=jax.ShapeDtypeStruct((rows, cout), jnp.float32),
    )(*args)



def _radius(pos_src, q, r, K):
    d2 = jnp.sum((q[:, None, :] - pos_src[None, :, :]) ** 2, axis=-1)
    within = d2 <= r * r
    neg = jnp.where(within, -d2, -jnp.inf)
    vals, cols = jax.lax.top_k(neg, K)
    mask = vals > -jnp.inf
    cols = jnp.where(mask, cols, 0)
    return cols, mask


def _knn_interp(x, pos_src, pos_dst, k):
    d2 = jnp.sum((pos_dst[:, None, :] - pos_src[None, :, :]) ** 2, axis=-1)
    idx = jax.lax.top_k(-d2, k)[1]
    d2s = jnp.take_along_axis(d2, idx, axis=1)
    w = 1.0 / jnp.maximum(d2s, 1e-16)
    return (jnp.sum(w[:, :, None] * x[idx], axis=1)
            / jnp.sum(w, axis=1, keepdims=True))


def _bn_ref(x, g, b, mask):
    m = mask[:, None]
    cnt = jnp.maximum(jnp.sum(m), 1.0)
    mean = jnp.sum(x * m, axis=0) / cnt
    var = jnp.sum(((x - mean) ** 2) * m, axis=0) / cnt
    return g * (x - mean) / jnp.sqrt(var + _EPS) + b


def _pnconv(x_src, pos_src, q, cols, mask, layers):
    m, K = cols.shape
    xj = x_src[cols]
    rel = pos_src[cols] - q[:, None, :]
    h = jnp.concatenate([xj, rel], axis=-1).reshape(m * K, -1)
    mf = mask.reshape(m * K).astype(jnp.float32)
    n = len(layers)
    for i, p in enumerate(layers):
        h = h @ p["W"] + p["b"]
        if i < n - 1:
            h = _bn_ref(h, p["g"], p["bt"], mf)
            h = jax.nn.relu(h)
    cout = h.shape[1]
    h = h.reshape(m, K, cout)
    h = jnp.where(mask[:, :, None], h, -1e30)
    out = jnp.max(h, axis=1)
    return jnp.where(jnp.any(mask, axis=1)[:, None], out, 0.0)


def kernel(pos, batch, params):
    x = pos
    idx1 = _fps(pos, _N1)
    q1 = pos[idx1]
    cols1, mask1 = _radius(pos, q1, 0.2, _K)
    x1 = _pnconv(x, pos, q1, cols1, mask1, params["sa1"])
    idx2 = _fps(q1, _N2)
    q2 = q1[idx2]
    cols2, mask2 = _radius(q1, q2, 0.4, _K)
    x2 = _pnconv(x1, q1, q2, cols2, mask2, params["sa2"])
    h = _mlp_single(jnp.concatenate([x2, q2], axis=1), params["sa3"], True)
    x3 = jnp.max(h, axis=0, keepdims=True)
    pos3 = jnp.zeros((1, 3), jnp.float32)
    xi = _knn_interp(x3, pos3, q2, 1)
    xf3 = _mlp_single(jnp.concatenate([xi, x2], axis=1), params["fp3"], True)
    xi = _knn_interp(xf3, q2, q1, 3)
    xf2 = _mlp_single(jnp.concatenate([xi, x1], axis=1), params["fp2"], True)
    xi = _knn_interp(xf2, q1, pos, 3)
    xf1 = _mlp_grid(jnp.concatenate([xi, x], axis=1), params["fp1"],
                    None, 2048)
    z = xf1.reshape(_N * 32, 8)
    out = _mlp_rowwise(z, params["head"], 8192)
    out = out.reshape(_N, 32, 3)
    return jnp.transpose(out, (0, 2, 1))

# --- scband reference (transcript-rebuilt; emitter-appended) ---
"""Pipeline reference for scband-net-50397146251564 (READ-ONLY COPY).

The authoritative reference and input builder live on the scoring server;
editing this copy changes nothing except your own understanding.
"""

import jax, jax.numpy as jnp
import numpy as np

N_POINTS = 8192
N1 = 1639
N2 = 410
K_NEIGH = 64


def make_mlp(key, channels, use_bn=True):
    layers = []
    n = len(channels) - 1
    for i in range(n):
        key, k = jax.random.split(key)
        cin, cout = channels[i], channels[i + 1]
        std = (2.0 / (cin + cout)) ** 0.5
        layer = {"W": jax.random.normal(k, (cin, cout), jnp.float32) * std,
                 "b": jnp.zeros((cout,), jnp.float32)}
        if use_bn and i < n - 1:
            layer["g"] = jnp.ones((cout,), jnp.float32)
            layer["bt"] = jnp.zeros((cout,), jnp.float32)
        layers.append(layer)
    return layers


def batch_norm(x, g, b, mask=None, eps=1e-5):
    if mask is None:
        mean = jnp.mean(x, axis=0)
        var = jnp.mean((x - mean) ** 2, axis=0)
    else:
        m = mask[:, None]
        cnt = jnp.maximum(jnp.sum(m), 1.0)
        mean = jnp.sum(x * m, axis=0) / cnt
        var = jnp.sum(((x - mean) ** 2) * m, axis=0) / cnt
    return g * (x - mean) / jnp.sqrt(var + eps) + b


def apply_mlp(x, layers, mask=None):
    n = len(layers)
    for i, p in enumerate(layers):
        x = x @ p["W"] + p["b"]
        if i < n - 1:
            if "g" in p:
                x = batch_norm(x, p["g"], p["bt"], mask)
            x = jax.nn.relu(x)
    return x


def fps(pos, num):
    pos = jax.lax.stop_gradient(pos)
    d = jnp.sum((pos - pos[0]) ** 2, axis=1)
    idxs = jnp.zeros((num,), jnp.int32)

    def body(i, st):
        d, idxs = st
        nxt = jnp.argmax(d).astype(jnp.int32)
        idxs = idxs.at[i].set(nxt)
        d = jnp.minimum(d, jnp.sum((pos - pos[nxt]) ** 2, axis=1))
        return (d, idxs)

    d, idxs = jax.lax.fori_loop(1, num, body, (d, idxs))
    return idxs


def radius_neighbors(pos_src, q, r, K):
    pos_src = jax.lax.stop_gradient(pos_src)
    q = jax.lax.stop_gradient(q)
    d2 = jnp.sum((q[:, None, :] - pos_src[None, :, :]) ** 2, axis=-1)
    within = d2 <= r * r
    neg = jnp.where(within, -d2, -jnp.inf)
    vals, cols = jax.lax.top_k(neg, K)
    mask = vals > -jnp.inf
    cols = jnp.where(mask, cols, 0)
    return cols, mask


def pointnet_conv(x_src, pos_src, q, cols, mask, layers):
    m, K = cols.shape
    xj = x_src[cols]
    rel = pos_src[cols] - q[:, None, :]
    h = jnp.concatenate([xj, rel], axis=-1).reshape(m * K, -1)
    h = apply_mlp(h, layers, mask=mask.reshape(m * K).astype(jnp.float32))
    h = h.reshape(m, K, -1)
    h = jnp.where(mask[:, :, None], h, -1e30)
    out = jnp.max(h, axis=1)
    return jnp.where(jnp.any(mask, axis=1)[:, None], out, 0.0)


def knn_interp(x, pos_src, pos_dst, k):
    d2 = jnp.sum((pos_dst[:, None, :] - pos_src[None, :, :]) ** 2, axis=-1)
    idx = jax.lax.top_k(-jax.lax.stop_gradient(d2), k)[1]
    d2s = jnp.take_along_axis(d2, idx, axis=1)
    w = 1.0 / jnp.maximum(d2s, 1e-16)
    return jnp.sum(w[:, :, None] * x[idx], axis=1) / jnp.sum(w, axis=1, keepdims=True)


def forward(pos, params, batch):
    x = pos
    idx1 = fps(pos, N1)
    q1 = pos[idx1]
    cols1, mask1 = radius_neighbors(pos, q1, 0.2, K_NEIGH)
    x1 = pointnet_conv(x, pos, q1, cols1, mask1, params["sa1"])
    idx2 = fps(q1, N2)
    q2 = q1[idx2]
    cols2, mask2 = radius_neighbors(q1, q2, 0.4, K_NEIGH)
    x2 = pointnet_conv(x1, q1, q2, cols2, mask2, params["sa2"])
    h = apply_mlp(jnp.concatenate([x2, q2], axis=1), params["sa3"])
    x3 = jnp.max(h, axis=0, keepdims=True)
    pos3 = jnp.zeros((1, 3), jnp.float32)
    xi = knn_interp(x3, pos3, q2, 1)
    xf3 = apply_mlp(jnp.concatenate([xi, x2], axis=1), params["fp3"])
    xi = knn_interp(xf3, q2, q1, 3)
    xf2 = apply_mlp(jnp.concatenate([xi, x1], axis=1), params["fp2"])
    xi = knn_interp(xf2, q1, pos, 3)
    xf1 = apply_mlp(jnp.concatenate([xi, x], axis=1), params["fp1"])
    z = xf1.reshape(-1, 32, 8)
    out = apply_mlp(z, params["head"])
    return jnp.transpose(out, (0, 2, 1)).reshape(-1, 3, 32)


def setup_inputs(seed: int = 0):
    key = jax.random.key(seed)
    pos = jax.random.normal(jax.random.fold_in(key, 0), (N_POINTS, 3), dtype=jnp.float32)
    batch = jnp.zeros((N_POINTS,), dtype=jnp.int32)
    ks = jax.random.split(jax.random.fold_in(key, 1), 7)
    params = {
        "sa1": make_mlp(ks[0], [6, 64, 128, 128, 256], True),
        "sa2": make_mlp(ks[1], [259, 512, 512, 1024], True),
        "sa3": make_mlp(ks[2], [1027, 512, 1024, 1024, 2048], True),
        "fp3": make_mlp(ks[3], [3072, 1024, 512, 512], True),
        "fp2": make_mlp(ks[4], [768, 256, 128, 128], True),
        "fp1": make_mlp(ks[5], [131, 256, 512, 256, 256], True),
        "head": make_mlp(ks[6], [8, 32, 128, 32, 8, 3], False),
    }
    return {"pos": pos, "batch": batch, "params": params}


def reference(pos, batch, params):
    return forward(pos, params, batch)

if __name__ == "__main__":
    import jax
    _d = setup_inputs()
    print(jax.jit(kernel)(*tuple(_d.values())))

</pallas_src>

<mosaic_0001>
module attributes {stable_mosaic.version = 14 : i64} {
  func.func @_fps_body(%arg0: memref<64x128xf32, #tpu.memory_space<vmem>>, %arg1: memref<64x128xf32, #tpu.memory_space<vmem>>, %arg2: memref<64x128xf32, #tpu.memory_space<vmem>>, %arg3: memref<1640x128xi32, #tpu.memory_space<vmem>>) attributes {dimension_semantics = [], scalar_prefetch = 0 : i64, scratch_operands = 0 : i64, tpu.core_type = #tpu.core_type<tc>} {
    %get3A = arith.constant 0 : index
    %get3A_0 = arith.constant 0 : index
    %get3A_1 = vector.load %arg0[%get3A, %get3A_0] : memref<64x128xf32, #tpu.memory_space<vmem>>, vector<64x128xf32>
    %get3A_2 = arith.constant 0 : index
    %get3A_3 = arith.constant 0 : index
    %get3A_4 = vector.load %arg1[%get3A_2, %get3A_3] : memref<64x128xf32, #tpu.memory_space<vmem>>, vector<64x128xf32>
    %get3A_5 = arith.constant 0 : index
    %get3A_6 = arith.constant 0 : index
    %get3A_7 = vector.load %arg2[%get3A_5, %get3A_6] : memref<64x128xf32, #tpu.memory_space<vmem>>, vector<64x128xf32>
    %iota3A = tpu.iota {dimensions = array<i32: 0>} : vector<64x128xi32>
    %mul3A = arith.constant 128 : i32
    %mul3A_8 = vector.broadcast %mul3A : i32 to vector<64x128xi32>
    %mul3A_9 = arith.muli %iota3A, %mul3A_8 : vector<64x128xi32>
    %iota3A_10 = tpu.iota {dimensions = array<i32: 1>} : vector<64x128xi32>
    %add3A = arith.addi %mul3A_9, %iota3A_10 : vector<64x128xi32>
    %eq3A = arith.constant 0 : i32
    %eq3A_11 = vector.broadcast %eq3A : i32 to vector<64x128xi32>
    %eq3A_12 = arith.cmpi eq, %add3A, %eq3A_11 : vector<64x128xi32>
    %jit3A = arith.constant 0.000000e+00 : f32
    %broadcast_in_dim3A = vector.broadcast %jit3A : f32 to vector<64x128xf32>
    %select_n3A = arith.select %eq3A_12, %get3A_1, %broadcast_in_dim3A : vector<64x128xi1>, vector<64x128xf32>
    %reduce_sum3A = vector.shape_cast %select_n3A : vector<64x128xf32> to vector<1x64x128xf32>
    %reduce_sum3A_13 = arith.constant dense<0.000000e+00> : vector<1xf32>
    %reduce_sum3A_14 = vector.multi_reduction <add>, %reduce_sum3A, %reduce_sum3A_13 [1, 2] : vector<1x64x128xf32> to vector<1xf32>
    %reduce_sum3A_15 = vector.shape_cast %reduce_sum3A_14 : vector<1xf32> to vector<1x1x1xf32>
    %reduce_sum3A_16 = vector.extract %reduce_sum3A_15[0, 0, 0] : f32 from vector<1x1x1xf32>
    %eq3A_17 = arith.constant 0 : i32
    %eq3A_18 = vector.broadcast %eq3A_17 : i32 to vector<64x128xi32>
    %eq3A_19 = arith.cmpi eq, %add3A, %eq3A_18 : vector<64x128xi32>
    %jit3A_20 = arith.constant 0.000000e+00 : f32
    %broadcast_in_dim3A_21 = vector.broadcast %jit3A_20 : f32 to vector<64x128xf32>
    %select_n3A_22 = arith.select %eq3A_19, %get3A_4, %broadcast_in_dim3A_21 : vector<64x128xi1>, vector<64x128xf32>
    %reduce_sum3A_23 = vector.shape_cast %select_n3A_22 : vector<64x128xf32> to vector<1x64x128xf32>
    %reduce_sum3A_24 = arith.constant dense<0.000000e+00> : vector<1xf32>
    %reduce_sum3A_25 = vector.multi_reduction <add>, %reduce_sum3A_23, %reduce_sum3A_24 [1, 2] : vector<1x64x128xf32> to vector<1xf32>
    %reduce_sum3A_26 = vector.shape_cast %reduce_sum3A_25 : vector<1xf32> to vector<1x1x1xf32>
    %reduce_sum3A_27 = vector.extract %reduce_sum3A_26[0, 0, 0] : f32 from vector<1x1x1xf32>
    %eq3A_28 = arith.constant 0 : i32
    %eq3A_29 = vector.broadcast %eq3A_28 : i32 to vector<64x128xi32>
    %eq3A_30 = arith.cmpi eq, %add3A, %eq3A_29 : vector<64x128xi32>
    %jit3A_31 = arith.constant 0.000000e+00 : f32
    %broadcast_in_dim3A_32 = vector.broadcast %jit3A_31 : f32 to vector<64x128xf32>
    %select_n3A_33 = arith.select %eq3A_30, %get3A_7, %broadcast_in_dim3A_32 : vector<64x128xi1>, vector<64x128xf32>
    %reduce_sum3A_34 = vector.shape_cast %select_n3A_33 : vector<64x128xf32> to vector<1x64x128xf32>
    %reduce_sum3A_35 = arith.constant dense<0.000000e+00> : vector<1xf32>
    %reduce_sum3A_36 = vector.multi_reduction <add>, %reduce_sum3A_34, %reduce_sum3A_35 [1, 2] : vector<1x64x128xf32> to vector<1xf32>
    %reduce_sum3A_37 = vector.shape_cast %reduce_sum3A_36 : vector<1xf32> to vector<1x1x1xf32>
    %reduce_sum3A_38 = vector.extract %reduce_sum3A_37[0, 0, 0] : f32 from vector<1x1x1xf32>
    %sub3A = vector.broadcast %reduce_sum3A_16 : f32 to vector<64x128xf32>
    %sub3A_39 = arith.subf %get3A_1, %sub3A : vector<64x128xf32>
    %integer_pow3A = arith.mulf %sub3A_39, %sub3A_39 : vector<64x128xf32>
    %sub3A_40 = vector.broadcast %reduce_sum3A_27 : f32 to vector<64x128xf32>
    %sub3A_41 = arith.subf %get3A_4, %sub3A_40 : vector<64x128xf32>
    %integer_pow3A_42 = arith.mulf %sub3A_41, %sub3A_41 : vector<64x128xf32>
    %add3A_43 = arith.addf %integer_pow3A, %integer_pow3A_42 : vector<64x128xf32>
    %sub3A_44 = vector.broadcast %reduce_sum3A_38 : f32 to vector<64x128xf32>
    %sub3A_45 = arith.subf %get3A_7, %sub3A_44 : vector<64x128xf32>
    %integer_pow3A_46 = arith.mulf %sub3A_45, %sub3A_45 : vector<64x128xf32>
    %add3A_47 = arith.addf %add3A_43, %integer_pow3A_46 : vector<64x128xf32>
    %broadcast_in_dim3A_48 = arith.constant 0 : i32
    %broadcast_in_dim3A_49 = vector.broadcast %broadcast_in_dim3A_48 : i32 to vector<128xi32>
    %swap3A = arith.constant 0 : index
    %swap3A_50 = arith.constant 0 : index
    %swap3A_51 = vector.load %arg3[%swap3A, %swap3A_50] : memref<1640x128xi32, #tpu.memory_space<vmem>>, vector<1x128xi32>
    %swap3A_52 = vector.shape_cast %swap3A_51 : vector<1x128xi32> to vector<128xi32>
    %swap3A_53 = vector.shape_cast %broadcast_in_dim3A_49 : vector<128xi32> to vector<1x128xi32>
    tpu.vector_store %arg3[%swap3A, %swap3A_50], %swap3A_53 {strides = array<i32>} : memref<1640x128xi32, #tpu.memory_space<vmem>>, vector<1x128xi32>,
    %scan3A = arith.constant 1 : i32
    %scan3A_54 = arith.constant 1638 : i32
    %scan3A_55 = arith.addi %scan3A, %scan3A_54 : i32
    %scan3A_56 = arith.constant 1 : i32
    %scan3A_57 = scf.for %scan3A_59 = %scan3A to %scan3A_55 step %scan3A_56 iter_args(%scan3A_60 = %add3A_47) -> (vector<64x128xf32>)  : i32 {
      %reduce_max3A = vector.shape_cast %scan3A_60 : vector<64x128xf32> to vector<1x64x128xf32>
      %reduce_max3A_61 = arith.constant dense<0xFF800000> : vector<1xf32>
      %reduce_max3A_62 = vector.multi_reduction <maximumf>, %reduce_max3A, %reduce_max3A_61 [1, 2] : vector<1x64x128xf32> to vector<1xf32>
      %reduce_max3A_63 = vector.shape_cast %reduce_max3A_62 : vector<1xf32> to vector<1x1x1xf32>
      %reduce_max3A_64 = vector.extract %reduce_max3A_63[0, 0, 0] : f32 from vector<1x1x1xf32>
      %eq3A_65 = vector.broadcast %reduce_max3A_64 : f32 to vector<64x128xf32>
      %eq3A_66 = arith.cmpf oeq, %scan3A_60, %eq3A_65 : vector<64x128xf32>
      %jit3A_67 = arith.constant 1073741824 : i32
      %broadcast_in_dim3A_68 = vector.broadcast %jit3A_67 : i32 to vector<64x128xi32>
      %select_n3A_69 = arith.select %eq3A_66, %add3A, %broadcast_in_dim3A_68 : vector<64x128xi1>, vector<64x128xi32>
      %reduce_min3A = vector.shape_cast %select_n3A_69 : vector<64x128xi32> to vector<1x64x128xi32>
      %reduce_min3A_70 = arith.constant dense<2147483647> : vector<1xi32>
      %reduce_min3A_71 = vector.multi_reduction <minsi>, %reduce_min3A, %reduce_min3A_70 [1, 2] : vector<1x64x128xi32> to vector<1xi32>
      %reduce_min3A_72 = vector.shape_cast %reduce_min3A_71 : vector<1xi32> to vector<1x1x1xi32>
      %reduce_min3A_73 = vector.extract %reduce_min3A_72[0, 0, 0] : i32 from vector<1x1x1xi32>
      %broadcast_in_dim3A_74 = vector.broadcast %reduce_min3A_73 : i32 to vector<1x128xi32>
      %swap3A_75 = arith.index_cast %scan3A_59 : i32 to index
      %swap3A_76 = arith.constant 0 : index
      %swap3A_77 = vector.load %arg3[%swap3A_75, %swap3A_76] : memref<1640x128xi32, #tpu.memory_space<vmem>>, vector<1x128xi32>
      tpu.vector_store %arg3[%swap3A_75, %swap3A_76], %broadcast_in_dim3A_74 {strides = array<i32>} : memref<1640x128xi32, #tpu.memory_space<vmem>>, vector<1x128xi32>,
      %eq3A_78 = vector.broadcast %reduce_min3A_73 : i32 to vector<64x128xi32>
      %eq3A_79 = arith.cmpi eq, %add3A, %eq3A_78 : vector<64x128xi32>
      %jit3A_80 = arith.constant 0.000000e+00 : f32
      %broadcast_in_dim3A_81 = vector.broadcast %jit3A_80 : f32 to vector<64x128xf32>
      %select_n3A_82 = arith.select %eq3A_79, %get3A_1, %broadcast_in_dim3A_81 : vector<64x128xi1>, vector<64x128xf32>
      %reduce_sum3A_83 = vector.shape_cast %select_n3A_82 : vector<64x128xf32> to vector<1x64x128xf32>
      %reduce_sum3A_84 = arith.constant dense<0.000000e+00> : vector<1xf32>
      %reduce_sum3A_85 = vector.multi_reduction <add>, %reduce_sum3A_83, %reduce_sum3A_84 [1, 2] : vector<1x64x128xf32> to vector<1xf32>
      %reduce_sum3A_86 = vector.shape_cast %reduce_sum3A_85 : vector<1xf32> to vector<1x1x1xf32>
      %reduce_sum3A_87 = vector.extract %reduce_sum3A_86[0, 0, 0] : f32 from vector<1x1x1xf32>
      %jit3A_88 = arith.constant 0.000000e+00 : f32
      %broadcast_in_dim3A_89 = vector.broadcast %jit3A_88 : f32 to vector<64x128xf32>
      %select_n3A_90 = arith.select %eq3A_79, %get3A_4, %broadcast_in_dim3A_89 : vector<64x128xi1>, vector<64x128xf32>
      %reduce_sum3A_91 = vector.shape_cast %select_n3A_90 : vector<64x128xf32> to vector<1x64x128xf32>
      %reduce_sum3A_92 = arith.constant dense<0.000000e+00> : vector<1xf32>
      %reduce_sum3A_93 = vector.multi_reduction <add>, %reduce_sum3A_91, %reduce_sum3A_92 [1, 2] : vector<1x64x128xf32> to vector<1xf32>
      %reduce_sum3A_94 = vector.shape_cast %reduce_sum3A_93 : vector<1xf32> to vector<1x1x1xf32>
      %reduce_sum3A_95 = vector.extract %reduce_sum3A_94[0, 0, 0] : f32 from vector<1x1x1xf32>
      %jit3A_96 = arith.constant 0.000000e+00 : f32
      %broadcast_in_dim3A_97 = vector.broadcast %jit3A_96 : f32 to vector<64x128xf32>
      %select_n3A_98 = arith.select %eq3A_79, %get3A_7, %broadcast_in_dim3A_97 : vector<64x128xi1>, vector<64x128xf32>
      %reduce_sum3A_99 = vector.shape_cast %select_n3A_98 : vector<64x128xf32> to vector<1x64x128xf32>
      %reduce_sum3A_100 = arith.constant dense<0.000000e+00> : vector<1xf32>
      %reduce_sum3A_101 = vector.multi_reduction <add>, %reduce_sum3A_99, %reduce_sum3A_100 [1, 2] : vector<1x64x128xf32> to vector<1xf32>
      %reduce_sum3A_102 = vector.shape_cast %reduce_sum3A_101 : vector<1xf32> to vector<1x1x1xf32>
      %reduce_sum3A_103 = vector.extract %reduce_sum3A_102[0, 0, 0] : f32 from vector<1x1x1xf32>
      %sub3A_104 = vector.broadcast %reduce_sum3A_87 : f32 to vector<64x128xf32>
      %sub3A_105 = arith.subf %get3A_1, %sub3A_104 : vector<64x128xf32>
      %integer_pow3A_106 = arith.mulf %sub3A_105, %sub3A_105 : vector<64x128xf32>
      %sub3A_107 = vector.broadcast %reduce_sum3A_95 : f32 to vector<64x128xf32>
      %sub3A_108 = arith.subf %get3A_4, %sub3A_107 : vector<64x128xf32>
      %integer_pow3A_109 = arith.mulf %sub3A_108, %sub3A_108 : vector<64x128xf32>
      %add3A_110 = arith.addf %integer_pow3A_106, %integer_pow3A_109 : vector<64x128xf32>
      %sub3A_111 = vector.broadcast %reduce_sum3A_103 : f32 to vector<64x128xf32>
      %sub3A_112 = arith.subf %get3A_7, %sub3A_111 : vector<64x128xf32>
      %integer_pow3A_113 = arith.mulf %sub3A_112, %sub3A_112 : vector<64x128xf32>
      %add3A_114 = arith.addf %add3A_110, %integer_pow3A_113 : vector<64x128xf32>
      %min3A = arith.minimumf %scan3A_60, %add3A_114 : vector<64x128xf32>
      scf.yield %min3A : vector<64x128xf32>
    }
    %scan3A_58 = arith.constant 1638 : i32
    return
  }
}

module attributes {stable_mosaic.version = 14 : i64} {
  func.func @_fps_body(%arg0: memref<13x128xf32, #tpu.memory_space<vmem>>, %arg1: memref<13x128xf32, #tpu.memory_space<vmem>>, %arg2: memref<13x128xf32, #tpu.memory_space<vmem>>, %arg3: memref<416x128xi32, #tpu.memory_space<vmem>>) attributes {dimension_semantics = [], scalar_prefetch = 0 : i64, scratch_operands = 0 : i64, tpu.core_type = #tpu.core_type<tc>} {
    %get3A = arith.constant 0 : index
    %get3A_0 = arith.constant 0 : index
    %get3A_1 = vector.load %arg0[%get3A, %get3A_0] : memref<13x128xf32, #tpu.memory_space<vmem>>, vector<13x128xf32>
    %get3A_2 = arith.constant 0 : index
    %get3A_3 = arith.constant 0 : index
    %get3A_4 = vector.load %arg1[%get3A_2, %get3A_3] : memref<13x128xf32, #tpu.memory_space<vmem>>, vector<13x128xf32>
    %get3A_5 = arith.constant 0 : index
    %get3A_6 = arith.constant 0 : index
    %get3A_7 = vector.load %arg2[%get3A_5, %get3A_6] : memref<13x128xf32, #tpu.memory_space<vmem>>, vector<13x128xf32>
    %iota3A = tpu.iota {dimensions = array<i32: 0>} : vector<13x128xi32>
    %mul3A = arith.constant 128 : i32
    %mul3A_8 = vector.broadcast %mul3A : i32 to vector<13x128xi32>
    %mul3A_9 = arith.muli %iota3A, %mul3A_8 : vector<13x128xi32>
    %iota3A_10 = tpu.iota {dimensions = array<i32: 1>} : vector<13x128xi32>
    %add3A = arith.addi %mul3A_9, %iota3A_10 : vector<13x128xi32>
    %eq3A = arith.constant 0 : i32
    %eq3A_11 = vector.broadcast %eq3A : i32 to vector<13x128xi32>
    %eq3A_12 = arith.cmpi eq, %add3A, %eq3A_11 : vector<13x128xi32>
    %jit3A = arith.constant 0.000000e+00 : f32
    %broadcast_in_dim3A = vector.broadcast %jit3A : f32 to vector<13x128xf32>
    %select_n3A = arith.select %eq3A_12, %get3A_1, %broadcast_in_dim3A : vector<13x128xi1>, vector<13x128xf32>
    %reduce_sum3A = vector.shape_cast %select_n3A : vector<13x128xf32> to vector<1x13x128xf32>
    %reduce_sum3A_13 = arith.constant dense<0.000000e+00> : vector<1xf32>
    %reduce_sum3A_14 = vector.multi_reduction <add>, %reduce_sum3A, %reduce_sum3A_13 [1, 2] : vector<1x13x128xf32> to vector<1xf32>
    %reduce_sum3A_15 = vector.shape_cast %reduce_sum3A_14 : vector<1xf32> to vector<1x1x1xf32>
    %reduce_sum3A_16 = vector.extract %reduce_sum3A_15[0, 0, 0] : f32 from vector<1x1x1xf32>
    %eq3A_17 = arith.constant 0 : i32
    %eq3A_18 = vector.broadcast %eq3A_17 : i32 to vector<13x128xi32>
    %eq3A_19 = arith.cmpi eq, %add3A, %eq3A_18 : vector<13x128xi32>
    %jit3A_20 = arith.constant 0.000000e+00 : f32
    %broadcast_in_dim3A_21 = vector.broadcast %jit3A_20 : f32 to vector<13x128xf32>
    %select_n3A_22 = arith.select %eq3A_19, %get3A_4, %broadcast_in_dim3A_21 : vector<13x128xi1>, vector<13x128xf32>
    %reduce_sum3A_23 = vector.shape_cast %select_n3A_22 : vector<13x128xf32> to vector<1x13x128xf32>
    %reduce_sum3A_24 = arith.constant dense<0.000000e+00> : vector<1xf32>
    %reduce_sum3A_25 = vector.multi_reduction <add>, %reduce_sum3A_23, %reduce_sum3A_24 [1, 2] : vector<1x13x128xf32> to vector<1xf32>
    %reduce_sum3A_26 = vector.shape_cast %reduce_sum3A_25 : vector<1xf32> to vector<1x1x1xf32>
    %reduce_sum3A_27 = vector.extract %reduce_sum3A_26[0, 0, 0] : f32 from vector<1x1x1xf32>
    %eq3A_28 = arith.constant 0 : i32
    %eq3A_29 = vector.broadcast %eq3A_28 : i32 to vector<13x128xi32>
    %eq3A_30 = arith.cmpi eq, %add3A, %eq3A_29 : vector<13x128xi32>
    %jit3A_31 = arith.constant 0.000000e+00 : f32
    %broadcast_in_dim3A_32 = vector.broadcast %jit3A_31 : f32 to vector<13x128xf32>
    %select_n3A_33 = arith.select %eq3A_30, %get3A_7, %broadcast_in_dim3A_32 : vector<13x128xi1>, vector<13x128xf32>
    %reduce_sum3A_34 = vector.shape_cast %select_n3A_33 : vector<13x128xf32> to vector<1x13x128xf32>
    %reduce_sum3A_35 = arith.constant dense<0.000000e+00> : vector<1xf32>
    %reduce_sum3A_36 = vector.multi_reduction <add>, %reduce_sum3A_34, %reduce_sum3A_35 [1, 2] : vector<1x13x128xf32> to vector<1xf32>
    %reduce_sum3A_37 = vector.shape_cast %reduce_sum3A_36 : vector<1xf32> to vector<1x1x1xf32>
    %reduce_sum3A_38 = vector.extract %reduce_sum3A_37[0, 0, 0] : f32 from vector<1x1x1xf32>
    %sub3A = vector.broadcast %reduce_sum3A_16 : f32 to vector<13x128xf32>
    %sub3A_39 = arith.subf %get3A_1, %sub3A : vector<13x128xf32>
    %integer_pow3A = arith.mulf %sub3A_39, %sub3A_39 : vector<13x128xf32>
    %sub3A_40 = vector.broadcast %reduce_sum3A_27 : f32 to vector<13x128xf32>
    %sub3A_41 = arith.subf %get3A_4, %sub3A_40 : vector<13x128xf32>
    %integer_pow3A_42 = arith.mulf %sub3A_41, %sub3A_41 : vector<13x128xf32>
    %add3A_43 = arith.addf %integer_pow3A, %integer_pow3A_42 : vector<13x128xf32>
    %sub3A_44 = vector.broadcast %reduce_sum3A_38 : f32 to vector<13x128xf32>
    %sub3A_45 = arith.subf %get3A_7, %sub3A_44 : vector<13x128xf32>
    %integer_pow3A_46 = arith.mulf %sub3A_45, %sub3A_45 : vector<13x128xf32>
    %add3A_47 = arith.addf %add3A_43, %integer_pow3A_46 : vector<13x128xf32>
    %broadcast_in_dim3A_48 = arith.constant 0 : i32
    %broadcast_in_dim3A_49 = vector.broadcast %broadcast_in_dim3A_48 : i32 to vector<128xi32>
    %swap3A = arith.constant 0 : index
    %swap3A_50 = arith.constant 0 : index
    %swap3A_51 = vector.load %arg3[%swap3A, %swap3A_50] : memref<416x128xi32, #tpu.memory_space<vmem>>, vector<1x128xi32>
    %swap3A_52 = vector.shape_cast %swap3A_51 : vector<1x128xi32> to vector<128xi32>
    %swap3A_53 = vector.shape_cast %broadcast_in_dim3A_49 : vector<128xi32> to vector<1x128xi32>
    tpu.vector_store %arg3[%swap3A, %swap3A_50], %swap3A_53 {strides = array<i32>} : memref<416x128xi32, #tpu.memory_space<vmem>>, vector<1x128xi32>,
    %scan3A = arith.constant 1 : i32
    %scan3A_54 = arith.constant 409 : i32
    %scan3A_55 = arith.addi %scan3A, %scan3A_54 : i32
    %scan3A_56 = arith.constant 1 : i32
    %scan3A_57 = scf.for %scan3A_59 = %scan3A to %scan3A_55 step %scan3A_56 iter_args(%scan3A_60 = %add3A_47) -> (vector<13x128xf32>)  : i32 {
      %reduce_max3A = vector.shape_cast %scan3A_60 : vector<13x128xf32> to vector<1x13x128xf32>
      %reduce_max3A_61 = arith.constant dense<0xFF800000> : vector<1xf32>
      %reduce_max3A_62 = vector.multi_reduction <maximumf>, %reduce_max3A, %reduce_max3A_61 [1, 2] : vector<1x13x128xf32> to vector<1xf32>
      %reduce_max3A_63 = vector.shape_cast %reduce_max3A_62 : vector<1xf32> to vector<1x1x1xf32>
      %reduce_max3A_64 = vector.extract %reduce_max3A_63[0, 0, 0] : f32 from vector<1x1x1xf32>
      %eq3A_65 = vector.broadcast %reduce_max3A_64 : f32 to vector<13x128xf32>
      %eq3A_66 = arith.cmpf oeq, %scan3A_60, %eq3A_65 : vector<13x128xf32>
      %jit3A_67 = arith.constant 1073741824 : i32
      %broadcast_in_dim3A_68 = vector.broadcast %jit3A_67 : i32 to vector<13x128xi32>
      %select_n3A_69 = arith.select %eq3A_66, %add3A, %broadcast_in_dim3A_68 : vector<13x128xi1>, vector<13x128xi32>
      %reduce_min3A = vector.shape_cast %select_n3A_69 : vector<13x128xi32> to vector<1x13x128xi32>
      %reduce_min3A_70 = arith.constant dense<2147483647> : vector<1xi32>
      %reduce_min3A_71 = vector.multi_reduction <minsi>, %reduce_min3A, %reduce_min3A_70 [1, 2] : vector<1x13x128xi32> to vector<1xi32>
      %reduce_min3A_72 = vector.shape_cast %reduce_min3A_71 : vector<1xi32> to vector<1x1x1xi32>
      %reduce_min3A_73 = vector.extract %reduce_min3A_72[0, 0, 0] : i32 from vector<1x1x1xi32>
      %broadcast_in_dim3A_74 = vector.broadcast %reduce_min3A_73 : i32 to vector<1x128xi32>
      %swap3A_75 = arith.index_cast %scan3A_59 : i32 to index
      %swap3A_76 = arith.constant 0 : index
      %swap3A_77 = vector.load %arg3[%swap3A_75, %swap3A_76] : memref<416x128xi32, #tpu.memory_space<vmem>>, vector<1x128xi32>
      tpu.vector_store %arg3[%swap3A_75, %swap3A_76], %broadcast_in_dim3A_74 {strides = array<i32>} : memref<416x128xi32, #tpu.memory_space<vmem>>, vector<1x128xi32>,
      %eq3A_78 = vector.broadcast %reduce_min3A_73 : i32 to vector<13x128xi32>
      %eq3A_79 = arith.cmpi eq, %add3A, %eq3A_78 : vector<13x128xi32>
      %jit3A_80 = arith.constant 0.000000e+00 : f32
      %broadcast_in_dim3A_81 = vector.broadcast %jit3A_80 : f32 to vector<13x128xf32>
      %select_n3A_82 = arith.select %eq3A_79, %get3A_1, %broadcast_in_dim3A_81 : vector<13x128xi1>, vector<13x128xf32>
      %reduce_sum3A_83 = vector.shape_cast %select_n3A_82 : vector<13x128xf32> to vector<1x13x128xf32>
      %reduce_sum3A_84 = arith.constant dense<0.000000e+00> : vector<1xf32>
      %reduce_sum3A_85 = vector.multi_reduction <add>, %reduce_sum3A_83, %reduce_sum3A_84 [1, 2] : vector<1x13x128xf32> to vector<1xf32>
      %reduce_sum3A_86 = vector.shape_cast %reduce_sum3A_85 : vector<1xf32> to vector<1x1x1xf32>
      %reduce_sum3A_87 = vector.extract %reduce_sum3A_86[0, 0, 0] : f32 from vector<1x1x1xf32>
      %jit3A_88 = arith.constant 0.000000e+00 : f32
      %broadcast_in_dim3A_89 = vector.broadcast %jit3A_88 : f32 to vector<13x128xf32>
      %select_n3A_90 = arith.select %eq3A_79, %get3A_4, %broadcast_in_dim3A_89 : vector<13x128xi1>, vector<13x128xf32>
      %reduce_sum3A_91 = vector.shape_cast %select_n3A_90 : vector<13x128xf32> to vector<1x13x128xf32>
      %reduce_sum3A_92 = arith.constant dense<0.000000e+00> : vector<1xf32>
      %reduce_sum3A_93 = vector.multi_reduction <add>, %reduce_sum3A_91, %reduce_sum3A_92 [1, 2] : vector<1x13x128xf32> to vector<1xf32>
      %reduce_sum3A_94 = vector.shape_cast %reduce_sum3A_93 : vector<1xf32> to vector<1x1x1xf32>
      %reduce_sum3A_95 = vector.extract %reduce_sum3A_94[0, 0, 0] : f32 from vector<1x1x1xf32>
      %jit3A_96 = arith.constant 0.000000e+00 : f32
      %broadcast_in_dim3A_97 = vector.broadcast %jit3A_96 : f32 to vector<13x128xf32>
      %select_n3A_98 = arith.select %eq3A_79, %get3A_7, %broadcast_in_dim3A_97 : vector<13x128xi1>, vector<13x128xf32>
      %reduce_sum3A_99 = vector.shape_cast %select_n3A_98 : vector<13x128xf32> to vector<1x13x128xf32>
      %reduce_sum3A_100 = arith.constant dense<0.000000e+00> : vector<1xf32>
      %reduce_sum3A_101 = vector.multi_reduction <add>, %reduce_sum3A_99, %reduce_sum3A_100 [1, 2] : vector<1x13x128xf32> to vector<1xf32>
      %reduce_sum3A_102 = vector.shape_cast %reduce_sum3A_101 : vector<1xf32> to vector<1x1x1xf32>
      %reduce_sum3A_103 = vector.extract %reduce_sum3A_102[0, 0, 0] : f32 from vector<1x1x1xf32>
      %sub3A_104 = vector.broadcast %reduce_sum3A_87 : f32 to vector<13x128xf32>
      %sub3A_105 = arith.subf %get3A_1, %sub3A_104 : vector<13x128xf32>
      %integer_pow3A_106 = arith.mulf %sub3A_105, %sub3A_105 : vector<13x128xf32>
      %sub3A_107 = vector.broadcast %reduce_sum3A_95 : f32 to vector<13x128xf32>
      %sub3A_108 = arith.subf %get3A_4, %sub3A_107 : vector<13x128xf32>
      %integer_pow3A_109 = arith.mulf %sub3A_108, %sub3A_108 : vector<13x128xf32>
      %add3A_110 = arith.addf %integer_pow3A_106, %integer_pow3A_109 : vector<13x128xf32>
      %sub3A_111 = vector.broadcast %reduce_sum3A_103 : f32 to vector<13x128xf32>
      %sub3A_112 = arith.subf %get3A_7, %sub3A_111 : vector<13x128xf32>
      %integer_pow3A_113 = arith.mulf %sub3A_112, %sub3A_112 : vector<13x128xf32>
      %add3A_114 = arith.addf %add3A_110, %integer_pow3A_113 : vector<13x128xf32>
      %min3A = arith.minimumf %scan3A_60, %add3A_114 : vector<13x128xf32>
      scf.yield %min3A : vector<13x128xf32>
    }
    %scan3A_58 = arith.constant 409 : i32
    return
  }
}

module attributes {stable_mosaic.version = 14 : i64} {
  func.func @_mlp_single_body(%arg0: memref<410x1027xf32, #tpu.memory_space<vmem>>, %arg1: memref<1027x512xf32, #tpu.memory_space<vmem>>, %arg2: memref<1x512xf32, #tpu.memory_space<vmem>>, %arg3: memref<1x512xf32, #tpu.memory_space<vmem>>, %arg4: memref<1x512xf32, #tpu.memory_space<vmem>>, %arg5: memref<512x1024xf32, #tpu.memory_space<vmem>>, %arg6: memref<1x1024xf32, #tpu.memory_space<vmem>>, %arg7: memref<1x1024xf32, #tpu.memory_space<vmem>>, %arg8: memref<1x1024xf32, #tpu.memory_space<vmem>>, %arg9: memref<1024x1024xf32, #tpu.memory_space<vmem>>, %arg10: memref<1x1024xf32, #tpu.memory_space<vmem>>, %arg11: memref<1x1024xf32, #tpu.memory_space<vmem>>, %arg12: memref<1x1024xf32, #tpu.memory_space<vmem>>, %arg13: memref<1024x2048xf32, #tpu.memory_space<vmem>>, %arg14: memref<1x2048xf32, #tpu.memory_space<vmem>>, %arg15: memref<410x2048xf32, #tpu.memory_space<vmem>>) attributes {dimension_semantics = [], scalar_prefetch = 0 : i64, scratch_operands = 0 : i64, tpu.core_type = #tpu.core_type<tc>} {
    %get3A = arith.constant 0 : index
    %get3A_0 = arith.constant 0 : index
    %get3A_1 = vector.load %arg0[%get3A, %get3A_0] : memref<410x1027xf32, #tpu.memory_space<vmem>>, vector<410x1027xf32>
    %get3A_2 = arith.constant 0 : index
    %get3A_3 = arith.constant 0 : index
    %get3A_4 = vector.load %arg1[%get3A_2, %get3A_3] : memref<1027x512xf32, #tpu.memory_space<vmem>>, vector<1027x512xf32>
    %get3A_5 = arith.constant 0 : index
    %get3A_6 = arith.constant 0 : index
    %get3A_7 = vector.load %arg2[%get3A_5, %get3A_6] : memref<1x512xf32, #tpu.memory_space<vmem>>, vector<1x512xf32>
    %convert_element_type3A = arith.truncf %get3A_1 : vector<410x1027xf32> to vector<410x1027xbf16>
    %convert_element_type3A_8 = arith.truncf %get3A_4 : vector<1027x512xf32> to vector<1027x512xbf16>
    %dot_general3A = arith.constant dense<0.000000e+00> : vector<410x512xf32>
    %dot_general3A_9 = tpu.matmul %convert_element_type3A, %convert_element_type3A_8, %dot_general3A {dimension_numbers = #tpu.dot_dimension_numbers<[1], [0], [0], [1], [0, 0, 1, 1], [], []>, transpose_lhs_hint = false} : vector<410x1027xbf16>, vector<1027x512xbf16>, vector<410x512xf32> -> vector<410x512xf32>
    %add3A = vector.broadcast %get3A_7 : vector<1x512xf32> to vector<410x512xf32>
    %add3A_10 = arith.addf %dot_general3A_9, %add3A : vector<410x512xf32>
    %get3A_11 = arith.constant 0 : index
    %get3A_12 = arith.constant 0 : index
    %get3A_13 = vector.load %arg3[%get3A_11, %get3A_12] : memref<1x512xf32, #tpu.memory_space<vmem>>, vector<1x512xf32>
    %get3A_14 = arith.constant 0 : index
    %get3A_15 = arith.constant 0 : index
    %get3A_16 = vector.load %arg4[%get3A_14, %get3A_15] : memref<1x512xf32, #tpu.memory_space<vmem>>, vector<1x512xf32>
    %reduce_sum3A = arith.constant dense<0.000000e+00> : vector<512xf32>
    %reduce_sum3A_17 = vector.multi_reduction <add>, %add3A_10, %reduce_sum3A [0] : vector<410x512xf32> to vector<512xf32>
    %broadcast_in_dim3A = vector.shape_cast %reduce_sum3A_17 : vector<512xf32> to vector<1x512xf32>
    %div3A = arith.constant 4.100000e+02 : f32
    %div3A_18 = vector.broadcast %div3A : f32 to vector<1x512xf32>
    %div3A_19 = arith.divf %broadcast_in_dim3A, %div3A_18 : vector<1x512xf32>
    %sub3A = vector.broadcast %div3A_19 : vector<1x512xf32> to vector<410x512xf32>
    %sub3A_20 = arith.subf %add3A_10, %sub3A : vector<410x512xf32>
    %integer_pow3A = arith.mulf %sub3A_20, %sub3A_20 : vector<410x512xf32>
    %reduce_sum3A_21 = arith.constant dense<0.000000e+00> : vector<512xf32>
    %reduce_sum3A_22 = vector.multi_reduction <add>, %integer_pow3A, %reduce_sum3A_21 [0] : vector<410x512xf32> to vector<512xf32>
    %broadcast_in_dim3A_23 = vector.shape_cast %reduce_sum3A_22 : vector<512xf32> to vector<1x512xf32>
    %div3A_24 = arith.constant 4.100000e+02 : f32
    %div3A_25 = vector.broadcast %div3A_24 : f32 to vector<1x512xf32>
    %div3A_26 = arith.divf %broadcast_in_dim3A_23, %div3A_25 : vector<1x512xf32>
    %sub3A_27 = vector.broadcast %div3A_19 : vector<1x512xf32> to vector<410x512xf32>
    %sub3A_28 = arith.subf %add3A_10, %sub3A_27 : vector<410x512xf32>
    %mul3A = vector.broadcast %get3A_13 : vector<1x512xf32> to vector<410x512xf32>
    %mul3A_29 = arith.mulf %mul3A, %sub3A_28 : vector<410x512xf32>
    %add3A_30 = arith.constant 9.99999974E-6 : f32
    %add3A_31 = vector.broadcast %add3A_30 : f32 to vector<1x512xf32>
    %add3A_32 = arith.addf %div3A_26, %add3A_31 : vector<1x512xf32>
    %sqrt3A = math.sqrt %add3A_32 : vector<1x512xf32>
    %div3A_33 = vector.broadcast %sqrt3A : vector<1x512xf32> to vector<410x512xf32>
    %div3A_34 = arith.divf %mul3A_29, %div3A_33 : vector<410x512xf32>
    %add3A_35 = vector.broadcast %get3A_16 : vector<1x512xf32> to vector<410x512xf32>
    %add3A_36 = arith.addf %div3A_34, %add3A_35 : vector<410x512xf32>
    %max3A = arith.constant 0.000000e+00 : f32
    %max3A_37 = vector.broadcast %max3A : f32 to vector<410x512xf32>
    %max3A_38 = arith.maximumf %add3A_36, %max3A_37 : vector<410x512xf32>
    %get3A_39 = arith.constant 0 : index
    %get3A_40 = arith.constant 0 : index
    %get3A_41 = vector.load %arg5[%get3A_39, %get3A_40] : memref<512x1024xf32, #tpu.memory_space<vmem>>, vector<512x1024xf32>
    %get3A_42 = arith.constant 0 : index
    %get3A_43 = arith.constant 0 : index
    %get3A_44 = vector.load %arg6[%get3A_42, %get3A_43] : memref<1x1024xf32, #tpu.memory_space<vmem>>, vector<1x1024xf32>
    %convert_element_type3A_45 = arith.truncf %max3A_38 : vector<410x512xf32> to vector<410x512xbf16>
    %convert_element_type3A_46 = arith.truncf %get3A_41 : vector<512x1024xf32> to vector<512x1024xbf16>
    %dot_general3A_47 = arith.constant dense<0.000000e+00> : vector<410x1024xf32>
    %dot_general3A_48 = tpu.matmul %convert_element_type3A_45, %convert_element_type3A_46, %dot_general3A_47 {dimension_numbers = #tpu.dot_dimension_numbers<[1], [0], [0], [1], [0, 0, 1, 1], [], []>, transpose_lhs_hint = false} : vector<410x512xbf16>, vector<512x1024xbf16>, vector<410x1024xf32> -> vector<410x1024xf32>
    %add3A_49 = vector.broadcast %get3A_44 : vector<1x1024xf32> to vector<410x1024xf32>
    %add3A_50 = arith.addf %dot_general3A_48, %add3A_49 : vector<410x1024xf32>
    %get3A_51 = arith.constant 0 : index
    %get3A_52 = arith.constant 0 : index
    %get3A_53 = vector.load %arg7[%get3A_51, %get3A_52] : memref<1x1024xf32, #tpu.memory_space<vmem>>, vector<1x1024xf32>
    %get3A_54 = arith.constant 0 : index
    %get3A_55 = arith.constant 0 : index
    %get3A_56 = vector.load %arg8[%get3A_54, %get3A_55] : memref<1x1024xf32, #tpu.memory_space<vmem>>, vector<1x1024xf32>
    %reduce_sum3A_57 = arith.constant dense<0.000000e+00> : vector<1024xf32>
    %reduce_sum3A_58 = vector.multi_reduction <add>, %add3A_50, %reduce_sum3A_57 [0] : vector<410x1024xf32> to vector<1024xf32>
    %broadcast_in_dim3A_59 = vector.shape_cast %reduce_sum3A_58 : vector<1024xf32> to vector<1x1024xf32>
    %div3A_60 = arith.constant 4.100000e+02 : f32
    %div3A_61 = vector.broadcast %div3A_60 : f32 to vector<1x1024xf32>
    %div3A_62 = arith.divf %broadcast_in_dim3A_59, %div3A_61 : vector<1x1024xf32>
    %sub3A_63 = vector.broadcast %div3A_62 : vector<1x1024xf32> to vector<410x1024xf32>
    %sub3A_64 = arith.subf %add3A_50, %sub3A_63 : vector<410x1024xf32>
    %integer_pow3A_65 = arith.mulf %sub3A_64, %sub3A_64 : vector<410x1024xf32>
    %reduce_sum3A_66 = arith.constant dense<0.000000e+00> : vector<1024xf32>
    %reduce_sum3A_67 = vector.multi_reduction <add>, %integer_pow3A_65, %reduce_sum3A_66 [0] : vector<410x1024xf32> to vector<1024xf32>
    %broadcast_in_dim3A_68 = vector.shape_cast %reduce_sum3A_67 : vector<1024xf32> to vector<1x1024xf32>
    %div3A_69 = arith.constant 4.100000e+02 : f32
    %div3A_70 = vector.broadcast %div3A_69 : f32 to vector<1x1024xf32>
    %div3A_71 = arith.divf %broadcast_in_dim3A_68, %div3A_70 : vector<1x1024xf32>
    %sub3A_72 = vector.broadcast %div3A_62 : vector<1x1024xf32> to vector<410x1024xf32>
    %sub3A_73 = arith.subf %add3A_50, %sub3A_72 : vector<410x1024xf32>
    %mul3A_74 = vector.broadcast %get3A_53 : vector<1x1024xf32> to vector<410x1024xf32>
    %mul3A_75 = arith.mulf %mul3A_74, %sub3A_73 : vector<410x1024xf32>
    %add3A_76 = arith.constant 9.99999974E-6 : f32
    %add3A_77 = vector.broadcast %add3A_76 : f32 to vector<1x1024xf32>
    %add3A_78 = arith.addf %div3A_71, %add3A_77 : vector<1x1024xf32>
    %sqrt3A_79 = math.sqrt %add3A_78 : vector<1x1024xf32>
    %div3A_80 = vector.broadcast %sqrt3A_79 : vector<1x1024xf32> to vector<410x1024xf32>
    %div3A_81 = arith.divf %mul3A_75, %div3A_80 : vector<410x1024xf32>
    %add3A_82 = vector.broadcast %get3A_56 : vector<1x1024xf32> to vector<410x1024xf32>
    %add3A_83 = arith.addf %div3A_81, %add3A_82 : vector<410x1024xf32>
    %max3A_84 = arith.constant 0.000000e+00 : f32
    %max3A_85 = vector.broadcast %max3A_84 : f32 to vector<410x1024xf32>
    %max3A_86 = arith.maximumf %add3A_83, %max3A_85 : vector<410x1024xf32>
    %get3A_87 = arith.constant 0 : index
    %get3A_88 = arith.constant 0 : index
    %get3A_89 = vector.load %arg9[%get3A_87, %get3A_88] : memref<1024x1024xf32, #tpu.memory_space<vmem>>, vector<1024x1024xf32>
    %get3A_90 = arith.constant 0 : index
    %get3A_91 = arith.constant 0 : index
    %get3A_92 = vector.load %arg10[%get3A_90, %get3A_91] : memref<1x1024xf32, #tpu.memory_space<vmem>>, vector<1x1024xf32>
    %convert_element_type3A_93 = arith.truncf %max3A_86 : vector<410x1024xf32> to vector<410x1024xbf16>
    %convert_element_type3A_94 = arith.truncf %get3A_89 : vector<1024x1024xf32> to vector<1024x1024xbf16>
    %dot_general3A_95 = arith.constant dense<0.000000e+00> : vector<410x1024xf32>
    %dot_general3A_96 = tpu.matmul %convert_element_type3A_93, %convert_element_type3A_94, %dot_general3A_95 {dimension_numbers = #tpu.dot_dimension_numbers<[1], [0], [0], [1], [0, 0, 1, 1], [], []>, transpose_lhs_hint = false} : vector<410x1024xbf16>, vector<1024x1024xbf16>, vector<410x1024xf32> -> vector<410x1024xf32>
    %add3A_97 = vector.broadcast %get3A_92 : vector<1x1024xf32> to vector<410x1024xf32>
    %add3A_98 = arith.addf %dot_general3A_96, %add3A_97 : vector<410x1024xf32>
    %get3A_99 = arith.constant 0 : index
    %get3A_100 = arith.constant 0 : index
    %get3A_101 = vector.load %arg11[%get3A_99, %get3A_100] : memref<1x1024xf32, #tpu.memory_space<vmem>>, vector<1x1024xf32>
    %get3A_102 = arith.constant 0 : index
    %get3A_103 = arith.constant 0 : index
    %get3A_104 = vector.load %arg12[%get3A_102, %get3A_103] : memref<1x1024xf32, #tpu.memory_space<vmem>>, vector<1x1024xf32>
    %reduce_sum3A_105 = arith.constant dense<0.000000e+00> : vector<1024xf32>
    %reduce_sum3A_106 = vector.multi_reduction <add>, %add3A_98, %reduce_sum3A_105 [0] : vector<410x1024xf32> to vector<1024xf32>
    %broadcast_in_dim3A_107 = vector.shape_cast %reduce_sum3A_106 : vector<1024xf32> to vector<1x1024xf32>
    %div3A_108 = arith.constant 4.100000e+02 : f32
    %div3A_109 = vector.broadcast %div3A_108 : f32 to vector<1x1024xf32>
    %div3A_110 = arith.divf %broadcast_in_dim3A_107, %div3A_109 : vector<1x1024xf32>
    %sub3A_111 = vector.broadcast %div3A_110 : vector<1x1024xf32> to vector<410x1024xf32>
    %sub3A_112 = arith.subf %add3A_98, %sub3A_111 : vector<410x1024xf32>
    %integer_pow3A_113 = arith.mulf %sub3A_112, %sub3A_112 : vector<410x1024xf32>
    %reduce_sum3A_114 = arith.constant dense<0.000000e+00> : vector<1024xf32>
    %reduce_sum3A_115 = vector.multi_reduction <add>, %integer_pow3A_113, %reduce_sum3A_114 [0] : vector<410x1024xf32> to vector<1024xf32>
    %broadcast_in_dim3A_116 = vector.shape_cast %reduce_sum3A_115 : vector<1024xf32> to vector<1x1024xf32>
    %div3A_117 = arith.constant 4.100000e+02 : f32
    %div3A_118 = vector.broadcast %div3A_117 : f32 to vector<1x1024xf32>
    %div3A_119 = arith.divf %broadcast_in_dim3A_116, %div3A_118 : vector<1x1024xf32>
    %sub3A_120 = vector.broadcast %div3A_110 : vector<1x1024xf32> to vector<410x1024xf32>
    %sub3A_121 = arith.subf %add3A_98, %sub3A_120 : vector<410x1024xf32>
    %mul3A_122 = vector.broadcast %get3A_101 : vector<1x1024xf32> to vector<410x1024xf32>
    %mul3A_123 = arith.mulf %mul3A_122, %sub3A_121 : vector<410x1024xf32>
    %add3A_124 = arith.constant 9.99999974E-6 : f32
    %add3A_125 = vector.broadcast %add3A_124 : f32 to vector<1x1024xf32>
    %add3A_126 = arith.addf %div3A_119, %add3A_125 : vector<1x1024xf32>
    %sqrt3A_127 = math.sqrt %add3A_126 : vector<1x1024xf32>
    %div3A_128 = vector.broadcast %sqrt3A_127 : vector<1x1024xf32> to vector<410x1024xf32>
    %div3A_129 = arith.divf %mul3A_123, %div3A_128 : vector<410x1024xf32>
    %add3A_130 = vector.broadcast %get3A_104 : vector<1x1024xf32> to vector<410x1024xf32>
    %add3A_131 = arith.addf %div3A_129, %add3A_130 : vector<410x1024xf32>
    %max3A_132 = arith.constant 0.000000e+00 : f32
    %max3A_133 = vector.broadcast %max3A_132 : f32 to vector<410x1024xf32>
    %max3A_134 = arith.maximumf %add3A_131, %max3A_133 : vector<410x1024xf32>
    %get3A_135 = arith.constant 0 : index
    %get3A_136 = arith.constant 0 : index
    %get3A_137 = vector.load %arg13[%get3A_135, %get3A_136] : memref<1024x2048xf32, #tpu.memory_space<vmem>>, vector<1024x2048xf32>
    %get3A_138 = arith.constant 0 : index
    %get3A_139 = arith.constant 0 : index
    %get3A_140 = vector.load %arg14[%get3A_138, %get3A_139] : memref<1x2048xf32, #tpu.memory_space<vmem>>, vector<1x2048xf32>
    %convert_element_type3A_141 = arith.truncf %max3A_134 : vector<410x1024xf32> to vector<410x1024xbf16>
    %convert_element_type3A_142 = arith.truncf %get3A_137 : vector<1024x2048xf32> to vector<1024x2048xbf16>
    %dot_general3A_143 = arith.constant dense<0.000000e+00> : vector<410x2048xf32>
    %dot_general3A_144 = tpu.matmul %convert_element_type3A_141, %convert_element_type3A_142, %dot_general3A_143 {dimension_numbers = #tpu.dot_dimension_numbers<[1], [0], [0], [1], [0, 0, 1, 1], [], []>, transpose_lhs_hint = false} : vector<410x1024xbf16>, vector<1024x2048xbf16>, vector<410x2048xf32> -> vector<410x2048xf32>
    %add3A_145 = vector.broadcast %get3A_140 : vector<1x2048xf32> to vector<410x2048xf32>
    %add3A_146 = arith.addf %dot_general3A_144, %add3A_145 : vector<410x2048xf32>
    %swap3A = arith.constant 0 : index
    %swap3A_147 = arith.constant 0 : index
    %swap3A_148 = vector.load %arg15[%swap3A, %swap3A_147] : memref<410x2048xf32, #tpu.memory_space<vmem>>, vector<410x2048xf32>
    tpu.vector_store %arg15[%swap3A, %swap3A_147], %add3A_146 {strides = array<i32>} : memref<410x2048xf32, #tpu.memory_space<vmem>>, vector<410x2048xf32>,
    return
  }
}

module attributes {stable_mosaic.version = 14 : i64} {
  func.func @_mlp_single_body(%arg0: memref<410x3072xf32, #tpu.memory_space<vmem>>, %arg1: memref<3072x1024xf32, #tpu.memory_space<vmem>>, %arg2: memref<1x1024xf32, #tpu.memory_space<vmem>>, %arg3: memref<1x1024xf32, #tpu.memory_space<vmem>>, %arg4: memref<1x1024xf32, #tpu.memory_space<vmem>>, %arg5: memref<1024x512xf32, #tpu.memory_space<vmem>>, %arg6: memref<1x512xf32, #tpu.memory_space<vmem>>, %arg7: memref<1x512xf32, #tpu.memory_space<vmem>>, %arg8: memref<1x512xf32, #tpu.memory_space<vmem>>, %arg9: memref<512x512xf32, #tpu.memory_space<vmem>>, %arg10: memref<1x512xf32, #tpu.memory_space<vmem>>, %arg11: memref<410x512xf32, #tpu.memory_space<vmem>>) attributes {dimension_semantics = [], scalar_prefetch = 0 : i64, scratch_operands = 0 : i64, tpu.core_type = #tpu.core_type<tc>} {
    %get3A = arith.constant 0 : index
    %get3A_0 = arith.constant 0 : index
    %get3A_1 = vector.load %arg0[%get3A, %get3A_0] : memref<410x3072xf32, #tpu.memory_space<vmem>>, vector<410x3072xf32>
    %get3A_2 = arith.constant 0 : index
    %get3A_3 = arith.constant 0 : index
    %get3A_4 = vector.load %arg1[%get3A_2, %get3A_3] : memref<3072x1024xf32, #tpu.memory_space<vmem>>, vector<3072x1024xf32>
    %get3A_5 = arith.constant 0 : index
    %get3A_6 = arith.constant 0 : index
    %get3A_7 = vector.load %arg2[%get3A_5, %get3A_6] : memref<1x1024xf32, #tpu.memory_space<vmem>>, vector<1x1024xf32>
    %convert_element_type3A = arith.truncf %get3A_1 : vector<410x3072xf32> to vector<410x3072xbf16>
    %convert_element_type3A_8 = arith.truncf %get3A_4 : vector<3072x1024xf32> to vector<3072x1024xbf16>
    %dot_general3A = arith.constant dense<0.000000e+00> : vector<410x1024xf32>
    %dot_general3A_9 = tpu.matmul %convert_element_type3A, %convert_element_type3A_8, %dot_general3A {dimension_numbers = #tpu.dot_dimension_numbers<[1], [0], [0], [1], [0, 0, 1, 1], [], []>, transpose_lhs_hint = false} : vector<410x3072xbf16>, vector<3072x1024xbf16>, vector<410x1024xf32> -> vector<410x1024xf32>
    %add3A = vector.broadcast %get3A_7 : vector<1x1024xf32> to vector<410x1024xf32>
    %add3A_10 = arith.addf %dot_general3A_9, %add3A : vector<410x1024xf32>
    %get3A_11 = arith.constant 0 : index
    %get3A_12 = arith.constant 0 : index
    %get3A_13 = vector.load %arg3[%get3A_11, %get3A_12] : memref<1x1024xf32, #tpu.memory_space<vmem>>, vector<1x1024xf32>
    %get3A_14 = arith.constant 0 : index
    %get3A_15 = arith.constant 0 : index
    %get3A_16 = vector.load %arg4[%get3A_14, %get3A_15] : memref<1x1024xf32, #tpu.memory_space<vmem>>, vector<1x1024xf32>
    %reduce_sum3A = arith.constant dense<0.000000e+00> : vector<1024xf32>
    %reduce_sum3A_17 = vector.multi_reduction <add>, %add3A_10, %reduce_sum3A [0] : vector<410x1024xf32> to vector<1024xf32>
    %broadcast_in_dim3A = vector.shape_cast %reduce_sum3A_17 : vector<1024xf32> to vector<1x1024xf32>
    %div3A = arith.constant 4.100000e+02 : f32
    %div3A_18 = vector.broadcast %div3A : f32 to vector<1x1024xf32>
    %div3A_19 = arith.divf %broadcast_in_dim3A, %div3A_18 : vector<1x1024xf32>
    %sub3A = vector.broadcast %div3A_19 : vector<1x1024xf32> to vector<410x1024xf32>
    %sub3A_20 = arith.subf %add3A_10, %sub3A : vector<410x1024xf32>
    %integer_pow3A = arith.mulf %sub3A_20, %sub3A_20 : vector<410x1024xf32>
    %reduce_sum3A_21 = arith.constant dense<0.000000e+00> : vector<1024xf32>
    %reduce_sum3A_22 = vector.multi_reduction <add>, %integer_pow3A, %reduce_sum3A_21 [0] : vector<410x1024xf32> to vector<1024xf32>
    %broadcast_in_dim3A_23 = vector.shape_cast %reduce_sum3A_22 : vector<1024xf32> to vector<1x1024xf32>
    %div3A_24 = arith.constant 4.100000e+02 : f32
    %div3A_25 = vector.broadcast %div3A_24 : f32 to vector<1x1024xf32>
    %div3A_26 = arith.divf %broadcast_in_dim3A_23, %div3A_25 : vector<1x1024xf32>
    %sub3A_27 = vector.broadcast %div3A_19 : vector<1x1024xf32> to vector<410x1024xf32>
    %sub3A_28 = arith.subf %add3A_10, %sub3A_27 : vector<410x1024xf32>
    %mul3A = vector.broadcast %get3A_13 : vector<1x1024xf32> to vector<410x1024xf32>
    %mul3A_29 = arith.mulf %mul3A, %sub3A_28 : vector<410x1024xf32>
    %add3A_30 = arith.constant 9.99999974E-6 : f32
    %add3A_31 = vector.broadcast %add3A_30 : f32 to vector<1x1024xf32>
    %add3A_32 = arith.addf %div3A_26, %add3A_31 : vector<1x1024xf32>
    %sqrt3A = math.sqrt %add3A_32 : vector<1x1024xf32>
    %div3A_33 = vector.broadcast %sqrt3A : vector<1x1024xf32> to vector<410x1024xf32>
    %div3A_34 = arith.divf %mul3A_29, %div3A_33 : vector<410x1024xf32>
    %add3A_35 = vector.broadcast %get3A_16 : vector<1x1024xf32> to vector<410x1024xf32>
    %add3A_36 = arith.addf %div3A_34, %add3A_35 : vector<410x1024xf32>
    %max3A = arith.constant 0.000000e+00 : f32
    %max3A_37 = vector.broadcast %max3A : f32 to vector<410x1024xf32>
    %max3A_38 = arith.maximumf %add3A_36, %max3A_37 : vector<410x1024xf32>
    %get3A_39 = arith.constant 0 : index
    %get3A_40 = arith.constant 0 : index
    %get3A_41 = vector.load %arg5[%get3A_39, %get3A_40] : memref<1024x512xf32, #tpu.memory_space<vmem>>, vector<1024x512xf32>
    %get3A_42 = arith.constant 0 : index
    %get3A_43 = arith.constant 0 : index
    %get3A_44 = vector.load %arg6[%get3A_42, %get3A_43] : memref<1x512xf32, #tpu.memory_space<vmem>>, vector<1x512xf32>
    %convert_element_type3A_45 = arith.truncf %max3A_38 : vector<410x1024xf32> to vector<410x1024xbf16>
    %convert_element_type3A_46 = arith.truncf %get3A_41 : vector<1024x512xf32> to vector<1024x512xbf16>
    %dot_general3A_47 = arith.constant dense<0.000000e+00> : vector<410x512xf32>
    %dot_general3A_48 = tpu.matmul %convert_element_type3A_45, %convert_element_type3A_46, %dot_general3A_47 {dimension_numbers = #tpu.dot_dimension_numbers<[1], [0], [0], [1], [0, 0, 1, 1], [], []>, transpose_lhs_hint = false} : vector<410x1024xbf16>, vector<1024x512xbf16>, vector<410x512xf32> -> vector<410x512xf32>
    %add3A_49 = vector.broadcast %get3A_44 : vector<1x512xf32> to vector<410x512xf32>
    %add3A_50 = arith.addf %dot_general3A_48, %add3A_49 : vector<410x512xf32>
    %get3A_51 = arith.constant 0 : index
    %get3A_52 = arith.constant 0 : index
    %get3A_53 = vector.load %arg7[%get3A_51, %get3A_52] : memref<1x512xf32, #tpu.memory_space<vmem>>, vector<1x512xf32>
    %get3A_54 = arith.constant 0 : index
    %get3A_55 = arith.constant 0 : index
    %get3A_56 = vector.load %arg8[%get3A_54, %get3A_55] : memref<1x512xf32, #tpu.memory_space<vmem>>, vector<1x512xf32>
    %reduce_sum3A_57 = arith.constant dense<0.000000e+00> : vector<512xf32>
    %reduce_sum3A_58 = vector.multi_reduction <add>, %add3A_50, %reduce_sum3A_57 [0] : vector<410x512xf32> to vector<512xf32>
    %broadcast_in_dim3A_59 = vector.shape_cast %reduce_sum3A_58 : vector<512xf32> to vector<1x512xf32>
    %div3A_60 = arith.constant 4.100000e+02 : f32
    %div3A_61 = vector.broadcast %div3A_60 : f32 to vector<1x512xf32>
    %div3A_62 = arith.divf %broadcast_in_dim3A_59, %div3A_61 : vector<1x512xf32>
    %sub3A_63 = vector.broadcast %div3A_62 : vector<1x512xf32> to vector<410x512xf32>
    %sub3A_64 = arith.subf %add3A_50, %sub3A_63 : vector<410x512xf32>
    %integer_pow3A_65 = arith.mulf %sub3A_64, %sub3A_64 : vector<410x512xf32>
    %reduce_sum3A_66 = arith.constant dense<0.000000e+00> : vector<512xf32>
    %reduce_sum3A_67 = vector.multi_reduction <add>, %integer_pow3A_65, %reduce_sum3A_66 [0] : vector<410x512xf32> to vector<512xf32>
    %broadcast_in_dim3A_68 = vector.shape_cast %reduce_sum3A_67 : vector<512xf32> to vector<1x512xf32>
    %div3A_69 = arith.constant 4.100000e+02 : f32
    %div3A_70 = vector.broadcast %div3A_69 : f32 to vector<1x512xf32>
    %div3A_71 = arith.divf %broadcast_in_dim3A_68, %div3A_70 : vector<1x512xf32>
    %sub3A_72 = vector.broadcast %div3A_62 : vector<1x512xf32> to vector<410x512xf32>
    %sub3A_73 = arith.subf %add3A_50, %sub3A_72 : vector<410x512xf32>
    %mul3A_74 = vector.broadcast %get3A_53 : vector<1x512xf32> to vector<410x512xf32>
    %mul3A_75 = arith.mulf %mul3A_74, %sub3A_73 : vector<410x512xf32>
    %add3A_76 = arith.constant 9.99999974E-6 : f32
    %add3A_77 = vector.broadcast %add3A_76 : f32 to vector<1x512xf32>
    %add3A_78 = arith.addf %div3A_71, %add3A_77 : vector<1x512xf32>
    %sqrt3A_79 = math.sqrt %add3A_78 : vector<1x512xf32>
    %div3A_80 = vector.broadcast %sqrt3A_79 : vector<1x512xf32> to vector<410x512xf32>
    %div3A_81 = arith.divf %mul3A_75, %div3A_80 : vector<410x512xf32>
    %add3A_82 = vector.broadcast %get3A_56 : vector<1x512xf32> to vector<410x512xf32>
    %add3A_83 = arith.addf %div3A_81, %add3A_82 : vector<410x512xf32>
    %max3A_84 = arith.constant 0.000000e+00 : f32
    %max3A_85 = vector.broadcast %max3A_84 : f32 to vector<410x512xf32>
    %max3A_86 = arith.maximumf %add3A_83, %max3A_85 : vector<410x512xf32>
    %get3A_87 = arith.constant 0 : index
    %get3A_88 = arith.constant 0 : index
    %get3A_89 = vector.load %arg9[%get3A_87, %get3A_88] : memref<512x512xf32, #tpu.memory_space<vmem>>, vector<512x512xf32>
    %get3A_90 = arith.constant 0 : index
    %get3A_91 = arith.constant 0 : index
    %get3A_92 = vector.load %arg10[%get3A_90, %get3A_91] : memref<1x512xf32, #tpu.memory_space<vmem>>, vector<1x512xf32>
    %convert_element_type3A_93 = arith.truncf %max3A_86 : vector<410x512xf32> to vector<410x512xbf16>
    %convert_element_type3A_94 = arith.truncf %get3A_89 : vector<512x512xf32> to vector<512x512xbf16>
    %dot_general3A_95 = arith.constant dense<0.000000e+00> : vector<410x512xf32>
    %dot_general3A_96 = tpu.matmul %convert_element_type3A_93, %convert_element_type3A_94, %dot_general3A_95 {dimension_numbers = #tpu.dot_dimension_numbers<[1], [0], [0], [1], [0, 0, 1, 1], [], []>, transpose_lhs_hint = false} : vector<410x512xbf16>, vector<512x512xbf16>, vector<410x512xf32> -> vector<410x512xf32>
    %add3A_97 = vector.broadcast %get3A_92 : vector<1x512xf32> to vector<410x512xf32>
    %add3A_98 = arith.addf %dot_general3A_96, %add3A_97 : vector<410x512xf32>
    %swap3A = arith.constant 0 : index
    %swap3A_99 = arith.constant 0 : index
    %swap3A_100 = vector.load %arg11[%swap3A, %swap3A_99] : memref<410x512xf32, #tpu.memory_space<vmem>>, vector<410x512xf32>
    tpu.vector_store %arg11[%swap3A, %swap3A_99], %add3A_98 {strides = array<i32>} : memref<410x512xf32, #tpu.memory_space<vmem>>, vector<410x512xf32>,
    return
  }
}

module attributes {stable_mosaic.version = 14 : i64} {
  func.func @_mlp_single_body(%arg0: memref<1639x768xf32, #tpu.memory_space<vmem>>, %arg1: memref<768x256xf32, #tpu.memory_space<vmem>>, %arg2: memref<1x256xf32, #tpu.memory_space<vmem>>, %arg3: memref<1x256xf32, #tpu.memory_space<vmem>>, %arg4: memref<1x256xf32, #tpu.memory_space<vmem>>, %arg5: memref<256x128xf32, #tpu.memory_space<vmem>>, %arg6: memref<1x128xf32, #tpu.memory_space<vmem>>, %arg7: memref<1x128xf32, #tpu.memory_space<vmem>>, %arg8: memref<1x128xf32, #tpu.memory_space<vmem>>, %arg9: memref<128x128xf32, #tpu.memory_space<vmem>>, %arg10: memref<1x128xf32, #tpu.memory_space<vmem>>, %arg11: memref<1639x128xf32, #tpu.memory_space<vmem>>) attributes {dimension_semantics = [], scalar_prefetch = 0 : i64, scratch_operands = 0 : i64, tpu.core_type = #tpu.core_type<tc>} {
    %get3A = arith.constant 0 : index
    %get3A_0 = arith.constant 0 : index
    %get3A_1 = vector.load %arg0[%get3A, %get3A_0] : memref<1639x768xf32, #tpu.memory_space<vmem>>, vector<1639x768xf32>
    %get3A_2 = arith.constant 0 : index
    %get3A_3 = arith.constant 0 : index
    %get3A_4 = vector.load %arg1[%get3A_2, %get3A_3] : memref<768x256xf32, #tpu.memory_space<vmem>>, vector<768x256xf32>
    %get3A_5 = arith.constant 0 : index
    %get3A_6 = arith.constant 0 : index
    %get3A_7 = vector.load %arg2[%get3A_5, %get3A_6] : memref<1x256xf32, #tpu.memory_space<vmem>>, vector<1x256xf32>
    %convert_element_type3A = arith.truncf %get3A_1 : vector<1639x768xf32> to vector<1639x768xbf16>
    %convert_element_type3A_8 = arith.truncf %get3A_4 : vector<768x256xf32> to vector<768x256xbf16>
    %dot_general3A = arith.constant dense<0.000000e+00> : vector<1639x256xf32>
    %dot_general3A_9 = tpu.matmul %convert_element_type3A, %convert_element_type3A_8, %dot_general3A {dimension_numbers = #tpu.dot_dimension_numbers<[1], [0], [0], [1], [0, 0, 1, 1], [], []>, transpose_lhs_hint = false} : vector<1639x768xbf16>, vector<768x256xbf16>, vector<1639x256xf32> -> vector<1639x256xf32>
    %add3A = vector.broadcast %get3A_7 : vector<1x256xf32> to vector<1639x256xf32>
    %add3A_10 = arith.addf %dot_general3A_9, %add3A : vector<1639x256xf32>
    %get3A_11 = arith.constant 0 : index
    %get3A_12 = arith.constant 0 : index
    %get3A_13 = vector.load %arg3[%get3A_11, %get3A_12] : memref<1x256xf32, #tpu.memory_space<vmem>>, vector<1x256xf32>
    %get3A_14 = arith.constant 0 : index
    %get3A_15 = arith.constant 0 : index
    %get3A_16 = vector.load %arg4[%get3A_14, %get3A_15] : memref<1x256xf32, #tpu.memory_space<vmem>>, vector<1x256xf32>
    %reduce_sum3A = arith.constant dense<0.000000e+00> : vector<256xf32>
    %reduce_sum3A_17 = vector.multi_reduction <add>, %add3A_10, %reduce_sum3A [0] : vector<1639x256xf32> to vector<256xf32>
    %broadcast_in_dim3A = vector.shape_cast %reduce_sum3A_17 : vector<256xf32> to vector<1x256xf32>
    %div3A = arith.constant 1.639000e+03 : f32
    %div3A_18 = vector.broadcast %div3A : f32 to vector<1x256xf32>
    %div3A_19 = arith.divf %broadcast_in_dim3A, %div3A_18 : vector<1x256xf32>
    %sub3A = vector.broadcast %div3A_19 : vector<1x256xf32> to vector<1639x256xf32>
    %sub3A_20 = arith.subf %add3A_10, %sub3A : vector<1639x256xf32>
    %integer_pow3A = arith.mulf %sub3A_20, %sub3A_20 : vector<1639x256xf32>
    %reduce_sum3A_21 = arith.constant dense<0.000000e+00> : vector<256xf32>
    %reduce_sum3A_22 = vector.multi_reduction <add>, %integer_pow3A, %reduce_sum3A_21 [0] : vector<1639x256xf32> to vector<256xf32>
    %broadcast_in_dim3A_23 = vector.shape_cast %reduce_sum3A_22 : vector<256xf32> to vector<1x256xf32>
    %div3A_24 = arith.constant 1.639000e+03 : f32
    %div3A_25 = vector.broadcast %div3A_24 : f32 to vector<1x256xf32>
    %div3A_26 = arith.divf %broadcast_in_dim3A_23, %div3A_25 : vector<1x256xf32>
    %sub3A_27 = vector.broadcast %div3A_19 : vector<1x256xf32> to vector<1639x256xf32>
    %sub3A_28 = arith.subf %add3A_10, %sub3A_27 : vector<1639x256xf32>
    %mul3A = vector.broadcast %get3A_13 : vector<1x256xf32> to vector<1639x256xf32>
    %mul3A_29 = arith.mulf %mul3A, %sub3A_28 : vector<1639x256xf32>
    %add3A_30 = arith.constant 9.99999974E-6 : f32
    %add3A_31 = vector.broadcast %add3A_30 : f32 to vector<1x256xf32>
    %add3A_32 = arith.addf %div3A_26, %add3A_31 : vector<1x256xf32>
    %sqrt3A = math.sqrt %add3A_32 : vector<1x256xf32>
    %div3A_33 = vector.broadcast %sqrt3A : vector<1x256xf32> to vector<1639x256xf32>
    %div3A_34 = arith.divf %mul3A_29, %div3A_33 : vector<1639x256xf32>
    %add3A_35 = vector.broadcast %get3A_16 : vector<1x256xf32> to vector<1639x256xf32>
    %add3A_36 = arith.addf %div3A_34, %add3A_35 : vector<1639x256xf32>
    %max3A = arith.constant 0.000000e+00 : f32
    %max3A_37 = vector.broadcast %max3A : f32 to vector<1639x256xf32>
    %max3A_38 = arith.maximumf %add3A_36, %max3A_37 : vector<1639x256xf32>
    %get3A_39 = arith.constant 0 : index
    %get3A_40 = arith.constant 0 : index
    %get3A_41 = vector.load %arg5[%get3A_39, %get3A_40] : memref<256x128xf32, #tpu.memory_space<vmem>>, vector<256x128xf32>
    %get3A_42 = arith.constant 0 : index
    %get3A_43 = arith.constant 0 : index
    %get3A_44 = vector.load %arg6[%get3A_42, %get3A_43] : memref<1x128xf32, #tpu.memory_space<vmem>>, vector<1x128xf32>
    %convert_element_type3A_45 = arith.truncf %max3A_38 : vector<1639x256xf32> to vector<1639x256xbf16>
    %convert_element_type3A_46 = arith.truncf %get3A_41 : vector<256x128xf32> to vector<256x128xbf16>
    %dot_general3A_47 = arith.constant dense<0.000000e+00> : vector<1639x128xf32>
    %dot_general3A_48 = tpu.matmul %convert_element_type3A_45, %convert_element_type3A_46, %dot_general3A_47 {dimension_numbers = #tpu.dot_dimension_numbers<[1], [0], [0], [1], [0, 0, 1, 1], [], []>, transpose_lhs_hint = false} : vector<1639x256xbf16>, vector<256x128xbf16>, vector<1639x128xf32> -> vector<1639x128xf32>
    %add3A_49 = vector.broadcast %get3A_44 : vector<1x128xf32> to vector<1639x128xf32>
    %add3A_50 = arith.addf %dot_general3A_48, %add3A_49 : vector<1639x128xf32>
    %get3A_51 = arith.constant 0 : index
    %get3A_52 = arith.constant 0 : index
    %get3A_53 = vector.load %arg7[%get3A_51, %get3A_52] : memref<1x128xf32, #tpu.memory_space<vmem>>, vector<1x128xf32>
    %get3A_54 = arith.constant 0 : index
    %get3A_55 = arith.constant 0 : index
    %get3A_56 = vector.load %arg8[%get3A_54, %get3A_55] : memref<1x128xf32, #tpu.memory_space<vmem>>, vector<1x128xf32>
    %reduce_sum3A_57 = arith.constant dense<0.000000e+00> : vector<128xf32>
    %reduce_sum3A_58 = vector.multi_reduction <add>, %add3A_50, %reduce_sum3A_57 [0] : vector<1639x128xf32> to vector<128xf32>
    %broadcast_in_dim3A_59 = vector.shape_cast %reduce_sum3A_58 : vector<128xf32> to vector<1x128xf32>
    %div3A_60 = arith.constant 1.639000e+03 : f32
    %div3A_61 = vector.broadcast %div3A_60 : f32 to vector<1x128xf32>
    %div3A_62 = arith.divf %broadcast_in_dim3A_59, %div3A_61 : vector<1x128xf32>
    %sub3A_63 = vector.broadcast %div3A_62 : vector<1x128xf32> to vector<1639x128xf32>
    %sub3A_64 = arith.subf %add3A_50, %sub3A_63 : vector<1639x128xf32>
    %integer_pow3A_65 = arith.mulf %sub3A_64, %sub3A_64 : vector<1639x128xf32>
    %reduce_sum3A_66 = arith.constant dense<0.000000e+00> : vector<128xf32>
    %reduce_sum3A_67 = vector.multi_reduction <add>, %integer_pow3A_65, %reduce_sum3A_66 [0] : vector<1639x128xf32> to vector<128xf32>
    %broadcast_in_dim3A_68 = vector.shape_cast %reduce_sum3A_67 : vector<128xf32> to vector<1x128xf32>
    %div3A_69 = arith.constant 1.639000e+03 : f32
    %div3A_70 = vector.broadcast %div3A_69 : f32 to vector<1x128xf32>
    %div3A_71 = arith.divf %broadcast_in_dim3A_68, %div3A_70 : vector<1x128xf32>
    %sub3A_72 = vector.broadcast %div3A_62 : vector<1x128xf32> to vector<1639x128xf32>
    %sub3A_73 = arith.subf %add3A_50, %sub3A_72 : vector<1639x128xf32>
    %mul3A_74 = vector.broadcast %get3A_53 : vector<1x128xf32> to vector<1639x128xf32>
    %mul3A_75 = arith.mulf %mul3A_74, %sub3A_73 : vector<1639x128xf32>
    %add3A_76 = arith.constant 9.99999974E-6 : f32
    %add3A_77 = vector.broadcast %add3A_76 : f32 to vector<1x128xf32>
    %add3A_78 = arith.addf %div3A_71, %add3A_77 : vector<1x128xf32>
    %sqrt3A_79 = math.sqrt %add3A_78 : vector<1x128xf32>
    %div3A_80 = vector.broadcast %sqrt3A_79 : vector<1x128xf32> to vector<1639x128xf32>
    %div3A_81 = arith.divf %mul3A_75, %div3A_80 : vector<1639x128xf32>
    %add3A_82 = vector.broadcast %get3A_56 : vector<1x128xf32> to vector<1639x128xf32>
    %add3A_83 = arith.addf %div3A_81, %add3A_82 : vector<1639x128xf32>
    %max3A_84 = arith.constant 0.000000e+00 : f32
    %max3A_85 = vector.broadcast %max3A_84 : f32 to vector<1639x128xf32>
    %max3A_86 = arith.maximumf %add3A_83, %max3A_85 : vector<1639x128xf32>
    %get3A_87 = arith.constant 0 : index
    %get3A_88 = arith.constant 0 : index
    %get3A_89 = vector.load %arg9[%get3A_87, %get3A_88] : memref<128x128xf32, #tpu.memory_space<vmem>>, vector<128x128xf32>
    %get3A_90 = arith.constant 0 : index
    %get3A_91 = arith.constant 0 : index
    %get3A_92 = vector.load %arg10[%get3A_90, %get3A_91] : memref<1x128xf32, #tpu.memory_space<vmem>>, vector<1x128xf32>
    %convert_element_type3A_93 = arith.truncf %max3A_86 : vector<1639x128xf32> to vector<1639x128xbf16>
    %convert_element_type3A_94 = arith.truncf %get3A_89 : vector<128x128xf32> to vector<128x128xbf16>
    %dot_general3A_95 = arith.constant dense<0.000000e+00> : vector<1639x128xf32>
    %dot_general3A_96 = tpu.matmul %convert_element_type3A_93, %convert_element_type3A_94, %dot_general3A_95 {dimension_numbers = #tpu.dot_dimension_numbers<[1], [0], [0], [1], [0, 0, 1, 1], [], []>, transpose_lhs_hint = false} : vector<1639x128xbf16>, vector<128x128xbf16>, vector<1639x128xf32> -> vector<1639x128xf32>
    %add3A_97 = vector.broadcast %get3A_92 : vector<1x128xf32> to vector<1639x128xf32>
    %add3A_98 = arith.addf %dot_general3A_96, %add3A_97 : vector<1639x128xf32>
    %swap3A = arith.constant 0 : index
    %swap3A_99 = arith.constant 0 : index
    %swap3A_100 = vector.load %arg11[%swap3A, %swap3A_99] : memref<1639x128xf32, #tpu.memory_space<vmem>>, vector<1639x128xf32>
    tpu.vector_store %arg11[%swap3A, %swap3A_99], %add3A_98 {strides = array<i32>} : memref<1639x128xf32, #tpu.memory_space<vmem>>, vector<1639x128xf32>,
    return
  }
}

module attributes {stable_mosaic.version = 14 : i64} {
  func.func @_mm_first_body(%arg0: i32, %arg1: memref<2048x131xf32, #tpu.memory_space<vmem>>, %arg2: memref<131x256xf32, #tpu.memory_space<vmem>>, %arg3: memref<1x256xf32, #tpu.memory_space<vmem>>, %arg4: memref<2048x256xf32, #tpu.memory_space<vmem>>) attributes {dimension_semantics = [#tpu.dimension_semantics<arbitrary>], iteration_bounds = array<i64: 4>, scalar_prefetch = 0 : i64, scratch_operands = 0 : i64, tpu.core_type = #tpu.core_type<tc>, window_params = [{transform_indices = @transform_0, window_bounds = array<i64: 2048, 131>}, {pipeline_mode = #tpu.pipeline_mode<synchronous>, transform_indices = @transform_1, window_bounds = array<i64: 131, 256>}, {pipeline_mode = #tpu.pipeline_mode<synchronous>, transform_indices = @transform_2, window_bounds = array<i64: 1, 256>}, {transform_indices = @transform_3, window_bounds = array<i64: 2048, 256>}]} {
    %get3A = arith.constant 0 : index
    %get3A_0 = arith.constant 0 : index
    %get3A_1 = vector.load %arg1[%get3A, %get3A_0] : memref<2048x131xf32, #tpu.memory_space<vmem>>, vector<2048x131xf32>
    %get3A_2 = arith.constant 0 : index
    %get3A_3 = arith.constant 0 : index
    %get3A_4 = vector.load %arg2[%get3A_2, %get3A_3] : memref<131x256xf32, #tpu.memory_space<vmem>>, vector<131x256xf32>
    %convert_element_type3A = arith.truncf %get3A_1 : vector<2048x131xf32> to vector<2048x131xbf16>
    %convert_element_type3A_5 = arith.truncf %get3A_4 : vector<131x256xf32> to vector<131x256xbf16>
    %dot_general3A = arith.constant dense<0.000000e+00> : vector<2048x256xf32>
    %dot_general3A_6 = tpu.matmul %convert_element_type3A, %convert_element_type3A_5, %dot_general3A {dimension_numbers = #tpu.dot_dimension_numbers<[1], [0], [0], [1], [0, 0, 1, 1], [], []>, transpose_lhs_hint = false} : vector<2048x131xbf16>, vector<131x256xbf16>, vector<2048x256xf32> -> vector<2048x256xf32>
    %get3A_7 = arith.constant 0 : index
    %get3A_8 = arith.constant 0 : index
    %get3A_9 = vector.load %arg3[%get3A_7, %get3A_8] : memref<1x256xf32, #tpu.memory_space<vmem>>, vector<1x256xf32>
    %add3A = vector.broadcast %get3A_9 : vector<1x256xf32> to vector<2048x256xf32>
    %add3A_10 = arith.addf %dot_general3A_6, %add3A : vector<2048x256xf32>
    %swap3A = arith.constant 0 : index
    %swap3A_11 = arith.constant 0 : index
    %swap3A_12 = vector.load %arg4[%swap3A, %swap3A_11] : memref<2048x256xf32, #tpu.memory_space<vmem>>, vector<2048x256xf32>
    tpu.vector_store %arg4[%swap3A, %swap3A_11], %add3A_10 {strides = array<i32>} : memref<2048x256xf32, #tpu.memory_space<vmem>>, vector<2048x256xf32>,
    return
  }
  func.func @transform_0(%arg0: i32) -> (i32, i32) {
    %c0_i32 = arith.constant 0 : i32
    %c0_i32_0 = arith.constant 0 : i32
    return %arg0, %c0_i32 : i32, i32
  }
  func.func @transform_1(%arg0: i32) -> (i32, i32) {
    %c0_i32 = arith.constant 0 : i32
    %c0_i32_0 = arith.constant 0 : i32
    %c0_i32_1 = arith.constant 0 : i32
    return %c0_i32, %c0_i32_0 : i32, i32
  }
  func.func @transform_2(%arg0: i32) -> (i32, i32) {
    %c0_i32 = arith.constant 0 : i32
    %c0_i32_0 = arith.constant 0 : i32
    %c0_i32_1 = arith.constant 0 : i32
    return %c0_i32, %c0_i32_0 : i32, i32
  }
  func.func @transform_3(%arg0: i32) -> (i32, i32) {
    %c0_i32 = arith.constant 0 : i32
    %c0_i32_0 = arith.constant 0 : i32
    return %arg0, %c0_i32 : i32, i32
  }
}

module attributes {stable_mosaic.version = 14 : i64} {
  func.func @_bn_mm_body(%arg0: i32, %arg1: memref<2048x256xf32, #tpu.memory_space<vmem>>, %arg2: memref<1x256xf32, #tpu.memory_space<vmem>>, %arg3: memref<1x256xf32, #tpu.memory_space<vmem>>, %arg4: memref<1x256xf32, #tpu.memory_space<vmem>>, %arg5: memref<1x256xf32, #tpu.memory_space<vmem>>, %arg6: memref<256x512xf32, #tpu.memory_space<vmem>>, %arg7: memref<1x512xf32, #tpu.memory_space<vmem>>, %arg8: memref<2048x512xf32, #tpu.memory_space<vmem>>) attributes {dimension_semantics = [#tpu.dimension_semantics<arbitrary>], iteration_bounds = array<i64: 4>, scalar_prefetch = 0 : i64, scratch_operands = 0 : i64, tpu.core_type = #tpu.core_type<tc>, window_params = [{transform_indices = @transform_0, window_bounds = array<i64: 2048, 256>}, {pipeline_mode = #tpu.pipeline_mode<synchronous>, transform_indices = @transform_1, window_bounds = array<i64: 1, 256>}, {pipeline_mode = #tpu.pipeline_mode<synchronous>, transform_indices = @transform_2, window_bounds = array<i64: 1, 256>}, {pipeline_mode = #tpu.pipeline_mode<synchronous>, transform_indices = @transform_3, window_bounds = array<i64: 1, 256>}, {pipeline_mode = #tpu.pipeline_mode<synchronous>, transform_indices = @transform_4, window_bounds = array<i64: 1, 256>}, {pipeline_mode = #tpu.pipeline_mode<synchronous>, transform_indices = @transform_5, window_bounds = array<i64: 256, 512>}, {pipeline_mode = #tpu.pipeline_mode<synchronous>, transform_indices = @transform_6, window_bounds = array<i64: 1, 512>}, {transform_indices = @transform_7, window_bounds = array<i64: 2048, 512>}]} {
    %get3A = arith.constant 0 : index
    %get3A_0 = arith.constant 0 : index
    %get3A_1 = vector.load %arg4[%get3A, %get3A_0] : memref<1x256xf32, #tpu.memory_space<vmem>>, vector<1x256xf32>
    %get3A_2 = arith.constant 0 : index
    %get3A_3 = arith.constant 0 : index
    %get3A_4 = vector.load %arg1[%get3A_2, %get3A_3] : memref<2048x256xf32, #tpu.memory_space<vmem>>, vector<2048x256xf32>
    %get3A_5 = arith.constant 0 : index
    %get3A_6 = arith.constant 0 : index
    %get3A_7 = vector.load %arg2[%get3A_5, %get3A_6] : memref<1x256xf32, #tpu.memory_space<vmem>>, vector<1x256xf32>
    %sub3A = vector.broadcast %get3A_7 : vector<1x256xf32> to vector<2048x256xf32>
    %sub3A_8 = arith.subf %get3A_4, %sub3A : vector<2048x256xf32>
    %mul3A = vector.broadcast %get3A_1 : vector<1x256xf32> to vector<2048x256xf32>
    %mul3A_9 = arith.mulf %mul3A, %sub3A_8 : vector<2048x256xf32>
    %get3A_10 = arith.constant 0 : index
    %get3A_11 = arith.constant 0 : index
    %get3A_12 = vector.load %arg3[%get3A_10, %get3A_11] : memref<1x256xf32, #tpu.memory_space<vmem>>, vector<1x256xf32>
    %add3A = arith.constant 9.99999974E-6 : f32
    %add3A_13 = vector.broadcast %add3A : f32 to vector<1x256xf32>
    %add3A_14 = arith.addf %get3A_12, %add3A_13 : vector<1x256xf32>
    %sqrt3A = math.sqrt %add3A_14 : vector<1x256xf32>
    %div3A = vector.broadcast %sqrt3A : vector<1x256xf32> to vector<2048x256xf32>
    %div3A_15 = arith.divf %mul3A_9, %div3A : vector<2048x256xf32>
    %get3A_16 = arith.constant 0 : index
    %get3A_17 = arith.constant 0 : index
    %get3A_18 = vector.load %arg5[%get3A_16, %get3A_17] : memref<1x256xf32, #tpu.memory_space<vmem>>, vector<1x256xf32>
    %add3A_19 = vector.broadcast %get3A_18 : vector<1x256xf32> to vector<2048x256xf32>
    %add3A_20 = arith.addf %div3A_15, %add3A_19 : vector<2048x256xf32>
    %max3A = arith.constant 0.000000e+00 : f32
    %max3A_21 = vector.broadcast %max3A : f32 to vector<2048x256xf32>
    %max3A_22 = arith.maximumf %add3A_20, %max3A_21 : vector<2048x256xf32>
    %get3A_23 = arith.constant 0 : index
    %get3A_24 = arith.constant 0 : index
    %get3A_25 = vector.load %arg6[%get3A_23, %get3A_24] : memref<256x512xf32, #tpu.memory_space<vmem>>, vector<256x512xf32>
    %convert_element_type3A = arith.truncf %max3A_22 : vector<2048x256xf32> to vector<2048x256xbf16>
    %convert_element_type3A_26 = arith.truncf %get3A_25 : vector<256x512xf32> to vector<256x512xbf16>
    %dot_general3A = arith.constant dense<0.000000e+00> : vector<2048x512xf32>
    %dot_general3A_27 = tpu.matmul %convert_element_type3A, %convert_element_type3A_26, %dot_general3A {dimension_numbers = #tpu.dot_dimension_numbers<[1], [0], [0], [1], [0, 0, 1, 1], [], []>, transpose_lhs_hint = false} : vector<2048x256xbf16>, vector<256x512xbf16>, vector<2048x512xf32> -> vector<2048x512xf32>
    %get3A_28 = arith.constant 0 : index
    %get3A_29 = arith.constant 0 : index
    %get3A_30 = vector.load %arg7[%get3A_28, %get3A_29] : memref<1x512xf32, #tpu.memory_space<vmem>>, vector<1x512xf32>
    %add3A_31 = vector.broadcast %get3A_30 : vector<1x512xf32> to vector<2048x512xf32>
    %add3A_32 = arith.addf %dot_general3A_27, %add3A_31 : vector<2048x512xf32>
    %swap3A = arith.constant 0 : index
    %swap3A_33 = arith.constant 0 : index
    %swap3A_34 = vector.load %arg8[%swap3A, %swap3A_33] : memref<2048x512xf32, #tpu.memory_space<vmem>>, vector<2048x512xf32>
    tpu.vector_store %arg8[%swap3A, %swap3A_33], %add3A_32 {strides = array<i32>} : memref<2048x512xf32, #tpu.memory_space<vmem>>, vector<2048x512xf32>,
    return
  }
  func.func @transform_0(%arg0: i32) -> (i32, i32) {
    %c0_i32 = arith.constant 0 : i32
    %c0_i32_0 = arith.constant 0 : i32
    return %arg0, %c0_i32 : i32, i32
  }
  func.func @transform_1(%arg0: i32) -> (i32, i32) {
    %c0_i32 = arith.constant 0 : i32
    %c0_i32_0 = arith.constant 0 : i32
    %c0_i32_1 = arith.constant 0 : i32
    return %c0_i32, %c0_i32_0 : i32, i32
  }
  func.func @transform_2(%arg0: i32) -> (i32, i32) {
    %c0_i32 = arith.constant 0 : i32
    %c0_i32_0 = arith.constant 0 : i32
    %c0_i32_1 = arith.constant 0 : i32
    return %c0_i32, %c0_i32_0 : i32, i32
  }
  func.func @transform_3(%arg0: i32) -> (i32, i32) {
    %c0_i32 = arith.constant 0 : i32
    %c0_i32_0 = arith.constant 0 : i32
    %c0_i32_1 = arith.constant 0 : i32
    return %c0_i32, %c0_i32_0 : i32, i32
  }
  func.func @transform_4(%arg0: i32) -> (i32, i32) {
    %c0_i32 = arith.constant 0 : i32
    %c0_i32_0 = arith.constant 0 : i32
    %c0_i32_1 = arith.constant 0 : i32
    return %c0_i32, %c0_i32_0 : i32, i32
  }
  func.func @transform_5(%arg0: i32) -> (i32, i32) {
    %c0_i32 = arith.constant 0 : i32
    %c0_i32_0 = arith.constant 0 : i32
    %c0_i32_1 = arith.constant 0 : i32
    return %c0_i32, %c0_i32_0 : i32, i32
  }
  func.func @transform_6(%arg0: i32) -> (i32, i32) {
    %c0_i32 = arith.constant 0 : i32
    %c0_i32_0 = arith.constant 0 : i32
    %c0_i32_1 = arith.constant 0 : i32
    return %c0_i32, %c0_i32_0 : i32, i32
  }
  func.func @transform_7(%arg0: i32) -> (i32, i32) {
    %c0_i32 = arith.constant 0 : i32
    %c0_i32_0 = arith.constant 0 : i32
    return %arg0, %c0_i32 : i32, i32
  }
}

module attributes {stable_mosaic.version = 14 : i64} {
  func.func @_bn_mm_body(%arg0: i32, %arg1: memref<2048x512xf32, #tpu.memory_space<vmem>>, %arg2: memref<1x512xf32, #tpu.memory_space<vmem>>, %arg3: memref<1x512xf32, #tpu.memory_space<vmem>>, %arg4: memref<1x512xf32, #tpu.memory_space<vmem>>, %arg5: memref<1x512xf32, #tpu.memory_space<vmem>>, %arg6: memref<512x256xf32, #tpu.memory_space<vmem>>, %arg7: memref<1x256xf32, #tpu.memory_space<vmem>>, %arg8: memref<2048x256xf32, #tpu.memory_space<vmem>>) attributes {dimension_semantics = [#tpu.dimension_semantics<arbitrary>], iteration_bounds = array<i64: 4>, scalar_prefetch = 0 : i64, scratch_operands = 0 : i64, tpu.core_type = #tpu.core_type<tc>, window_params = [{transform_indices = @transform_0, window_bounds = array<i64: 2048, 512>}, {pipeline_mode = #tpu.pipeline_mode<synchronous>, transform_indices = @transform_1, window_bounds = array<i64: 1, 512>}, {pipeline_mode = #tpu.pipeline_mode<synchronous>, transform_indices = @transform_2, window_bounds = array<i64: 1, 512>}, {pipeline_mode = #tpu.pipeline_mode<synchronous>, transform_indices = @transform_3, window_bounds = array<i64: 1, 512>}, {pipeline_mode = #tpu.pipeline_mode<synchronous>, transform_indices = @transform_4, window_bounds = array<i64: 1, 512>}, {pipeline_mode = #tpu.pipeline_mode<synchronous>, transform_indices = @transform_5, window_bounds = array<i64: 512, 256>}, {pipeline_mode = #tpu.pipeline_mode<synchronous>, transform_indices = @transform_6, window_bounds = array<i64: 1, 256>}, {transform_indices = @transform_7, window_bounds = array<i64: 2048, 256>}]} {
    %get3A = arith.constant 0 : index
    %get3A_0 = arith.constant 0 : index
    %get3A_1 = vector.load %arg4[%get3A, %get3A_0] : memref<1x512xf32, #tpu.memory_space<vmem>>, vector<1x512xf32>
    %get3A_2 = arith.constant 0 : index
    %get3A_3 = arith.constant 0 : index
    %get3A_4 = vector.load %arg1[%get3A_2, %get3A_3] : memref<2048x512xf32, #tpu.memory_space<vmem>>, vector<2048x512xf32>
    %get3A_5 = arith.constant 0 : index
    %get3A_6 = arith.constant 0 : index
    %get3A_7 = vector.load %arg2[%get3A_5, %get3A_6] : memref<1x512xf32, #tpu.memory_space<vmem>>, vector<1x512xf32>
    %sub3A = vector.broadcast %get3A_7 : vector<1x512xf32> to vector<2048x512xf32>
    %sub3A_8 = arith.subf %get3A_4, %sub3A : vector<2048x512xf32>
    %mul3A = vector.broadcast %get3A_1 : vector<1x512xf32> to vector<2048x512xf32>
    %mul3A_9 = arith.mulf %mul3A, %sub3A_8 : vector<2048x512xf32>
    %get3A_10 = arith.constant 0 : index
    %get3A_11 = arith.constant 0 : index
    %get3A_12 = vector.load %arg3[%get3A_10, %get3A_11] : memref<1x512xf32, #tpu.memory_space<vmem>>, vector<1x512xf32>
    %add3A = arith.constant 9.99999974E-6 : f32
    %add3A_13 = vector.broadcast %add3A : f32 to vector<1x512xf32>
    %add3A_14 = arith.addf %get3A_12, %add3A_13 : vector<1x512xf32>
    %sqrt3A = math.sqrt %add3A_14 : vector<1x512xf32>
    %div3A = vector.broadcast %sqrt3A : vector<1x512xf32> to vector<2048x512xf32>
    %div3A_15 = arith.divf %mul3A_9, %div3A : vector<2048x512xf32>
    %get3A_16 = arith.constant 0 : index
    %get3A_17 = arith.constant 0 : index
    %get3A_18 = vector.load %arg5[%get3A_16, %get3A_17] : memref<1x512xf32, #tpu.memory_space<vmem>>, vector<1x512xf32>
    %add3A_19 = vector.broadcast %get3A_18 : vector<1x512xf32> to vector<2048x512xf32>
    %add3A_20 = arith.addf %div3A_15, %add3A_19 : vector<2048x512xf32>
    %max3A = arith.constant 0.000000e+00 : f32
    %max3A_21 = vector.broadcast %max3A : f32 to vector<2048x512xf32>
    %max3A_22 = arith.maximumf %add3A_20, %max3A_21 : vector<2048x512xf32>
    %get3A_23 = arith.constant 0 : index
    %get3A_24 = arith.constant 0 : index
    %get3A_25 = vector.load %arg6[%get3A_23, %get3A_24] : memref<512x256xf32, #tpu.memory_space<vmem>>, vector<512x256xf32>
    %convert_element_type3A = arith.truncf %max3A_22 : vector<2048x512xf32> to vector<2048x512xbf16>
    %convert_element_type3A_26 = arith.truncf %get3A_25 : vector<512x256xf32> to vector<512x256xbf16>
    %dot_general3A = arith.constant dense<0.000000e+00> : vector<2048x256xf32>
    %dot_general3A_27 = tpu.matmul %convert_element_type3A, %convert_element_type3A_26, %dot_general3A {dimension_numbers = #tpu.dot_dimension_numbers<[1], [0], [0], [1], [0, 0, 1, 1], [], []>, transpose_lhs_hint = false} : vector<2048x512xbf16>, vector<512x256xbf16>, vector<2048x256xf32> -> vector<2048x256xf32>
    %get3A_28 = arith.constant 0 : index
    %get3A_29 = arith.constant 0 : index
    %get3A_30 = vector.load %arg7[%get3A_28, %get3A_29] : memref<1x256xf32, #tpu.memory_space<vmem>>, vector<1x256xf32>
    %add3A_31 = vector.broadcast %get3A_30 : vector<1x256xf32> to vector<2048x256xf32>
    %add3A_32 = arith.addf %dot_general3A_27, %add3A_31 : vector<2048x256xf32>
    %swap3A = arith.constant 0 : index
    %swap3A_33 = arith.constant 0 : index
    %swap3A_34 = vector.load %arg8[%swap3A, %swap3A_33] : memref<2048x256xf32, #tpu.memory_space<vmem>>, vector<2048x256xf32>
    tpu.vector_store %arg8[%swap3A, %swap3A_33], %add3A_32 {strides = array<i32>} : memref<2048x256xf32, #tpu.memory_space<vmem>>, vector<2048x256xf32>,
    return
  }
  func.func @transform_0(%arg0: i32) -> (i32, i32) {
    %c0_i32 = arith.constant 0 : i32
    %c0_i32_0 = arith.constant 0 : i32
    return %arg0, %c0_i32 : i32, i32
  }
  func.func @transform_1(%arg0: i32) -> (i32, i32) {
    %c0_i32 = arith.constant 0 : i32
    %c0_i32_0 = arith.constant 0 : i32
    %c0_i32_1 = arith.constant 0 : i32
    return %c0_i32, %c0_i32_0 : i32, i32
  }
  func.func @transform_2(%arg0: i32) -> (i32, i32) {
    %c0_i32 = arith.constant 0 : i32
    %c0_i32_0 = arith.constant 0 : i32
    %c0_i32_1 = arith.constant 0 : i32
    return %c0_i32, %c0_i32_0 : i32, i32
  }
  func.func @transform_3(%arg0: i32) -> (i32, i32) {
    %c0_i32 = arith.constant 0 : i32
    %c0_i32_0 = arith.constant 0 : i32
    %c0_i32_1 = arith.constant 0 : i32
    return %c0_i32, %c0_i32_0 : i32, i32
  }
  func.func @transform_4(%arg0: i32) -> (i32, i32) {
    %c0_i32 = arith.constant 0 : i32
    %c0_i32_0 = arith.constant 0 : i32
    %c0_i32_1 = arith.constant 0 : i32
    return %c0_i32, %c0_i32_0 : i32, i32
  }
  func.func @transform_5(%arg0: i32) -> (i32, i32) {
    %c0_i32 = arith.constant 0 : i32
    %c0_i32_0 = arith.constant 0 : i32
    %c0_i32_1 = arith.constant 0 : i32
    return %c0_i32, %c0_i32_0 : i32, i32
  }
  func.func @transform_6(%arg0: i32) -> (i32, i32) {
    %c0_i32 = arith.constant 0 : i32
    %c0_i32_0 = arith.constant 0 : i32
    %c0_i32_1 = arith.constant 0 : i32
    return %c0_i32, %c0_i32_0 : i32, i32
  }
  func.func @transform_7(%arg0: i32) -> (i32, i32) {
    %c0_i32 = arith.constant 0 : i32
    %c0_i32_0 = arith.constant 0 : i32
    return %arg0, %c0_i32 : i32, i32
  }
}

module attributes {stable_mosaic.version = 14 : i64} {
  func.func @_bn_mm_body(%arg0: i32, %arg1: memref<2048x256xf32, #tpu.memory_space<vmem>>, %arg2: memref<1x256xf32, #tpu.memory_space<vmem>>, %arg3: memref<1x256xf32, #tpu.memory_space<vmem>>, %arg4: memref<1x256xf32, #tpu.memory_space<vmem>>, %arg5: memref<1x256xf32, #tpu.memory_space<vmem>>, %arg6: memref<256x256xf32, #tpu.memory_space<vmem>>, %arg7: memref<1x256xf32, #tpu.memory_space<vmem>>, %arg8: memref<2048x256xf32, #tpu.memory_space<vmem>>) attributes {dimension_semantics = [#tpu.dimension_semantics<arbitrary>], iteration_bounds = array<i64: 4>, scalar_prefetch = 0 : i64, scratch_operands = 0 : i64, tpu.core_type = #tpu.core_type<tc>, window_params = [{transform_indices = @transform_0, window_bounds = array<i64: 2048, 256>}, {pipeline_mode = #tpu.pipeline_mode<synchronous>, transform_indices = @transform_1, window_bounds = array<i64: 1, 256>}, {pipeline_mode = #tpu.pipeline_mode<synchronous>, transform_indices = @transform_2, window_bounds = array<i64: 1, 256>}, {pipeline_mode = #tpu.pipeline_mode<synchronous>, transform_indices = @transform_3, window_bounds = array<i64: 1, 256>}, {pipeline_mode = #tpu.pipeline_mode<synchronous>, transform_indices = @transform_4, window_bounds = array<i64: 1, 256>}, {pipeline_mode = #tpu.pipeline_mode<synchronous>, transform_indices = @transform_5, window_bounds = array<i64: 256, 256>}, {pipeline_mode = #tpu.pipeline_mode<synchronous>, transform_indices = @transform_6, window_bounds = array<i64: 1, 256>}, {transform_indices = @transform_7, window_bounds = array<i64: 2048, 256>}]} {
    %get3A = arith.constant 0 : index
    %get3A_0 = arith.constant 0 : index
    %get3A_1 = vector.load %arg4[%get3A, %get3A_0] : memref<1x256xf32, #tpu.memory_space<vmem>>, vector<1x256xf32>
    %get3A_2 = arith.constant 0 : index
    %get3A_3 = arith.constant 0 : index
    %get3A_4 = vector.load %arg1[%get3A_2, %get3A_3] : memref<2048x256xf32, #tpu.memory_space<vmem>>, vector<2048x256xf32>
    %get3A_5 = arith.constant 0 : index
    %get3A_6 = arith.constant 0 : index
    %get3A_7 = vector.load %arg2[%get3A_5, %get3A_6] : memref<1x256xf32, #tpu.memory_space<vmem>>, vector<1x256xf32>
    %sub3A = vector.broadcast %get3A_7 : vector<1x256xf32> to vector<2048x256xf32>
    %sub3A_8 = arith.subf %get3A_4, %sub3A : vector<2048x256xf32>
    %mul3A = vector.broadcast %get3A_1 : vector<1x256xf32> to vector<2048x256xf32>
    %mul3A_9 = arith.mulf %mul3A, %sub3A_8 : vector<2048x256xf32>
    %get3A_10 = arith.constant 0 : index
    %get3A_11 = arith.constant 0 : index
    %get3A_12 = vector.load %arg3[%get3A_10, %get3A_11] : memref<1x256xf32, #tpu.memory_space<vmem>>, vector<1x256xf32>
    %add3A = arith.constant 9.99999974E-6 : f32
    %add3A_13 = vector.broadcast %add3A : f32 to vector<1x256xf32>
    %add3A_14 = arith.addf %get3A_12, %add3A_13 : vector<1x256xf32>
    %sqrt3A = math.sqrt %add3A_14 : vector<1x256xf32>
    %div3A = vector.broadcast %sqrt3A : vector<1x256xf32> to vector<2048x256xf32>
    %div3A_15 = arith.divf %mul3A_9, %div3A : vector<2048x256xf32>
    %get3A_16 = arith.constant 0 : index
    %get3A_17 = arith.constant 0 : index
    %get3A_18 = vector.load %arg5[%get3A_16, %get3A_17] : memref<1x256xf32, #tpu.memory_space<vmem>>, vector<1x256xf32>
    %add3A_19 = vector.broadcast %get3A_18 : vector<1x256xf32> to vector<2048x256xf32>
    %add3A_20 = arith.addf %div3A_15, %add3A_19 : vector<2048x256xf32>
    %max3A = arith.constant 0.000000e+00 : f32
    %max3A_21 = vector.broadcast %max3A : f32 to vector<2048x256xf32>
    %max3A_22 = arith.maximumf %add3A_20, %max3A_21 : vector<2048x256xf32>
    %get3A_23 = arith.constant 0 : index
    %get3A_24 = arith.constant 0 : index
    %get3A_25 = vector.load %arg6[%get3A_23, %get3A_24] : memref<256x256xf32, #tpu.memory_space<vmem>>, vector<256x256xf32>
    %convert_element_type3A = arith.truncf %max3A_22 : vector<2048x256xf32> to vector<2048x256xbf16>
    %convert_element_type3A_26 = arith.truncf %get3A_25 : vector<256x256xf32> to vector<256x256xbf16>
    %dot_general3A = arith.constant dense<0.000000e+00> : vector<2048x256xf32>
    %dot_general3A_27 = tpu.matmul %convert_element_type3A, %convert_element_type3A_26, %dot_general3A {dimension_numbers = #tpu.dot_dimension_numbers<[1], [0], [0], [1], [0, 0, 1, 1], [], []>, transpose_lhs_hint = false} : vector<2048x256xbf16>, vector<256x256xbf16>, vector<2048x256xf32> -> vector<2048x256xf32>
    %get3A_28 = arith.constant 0 : index
    %get3A_29 = arith.constant 0 : index
    %get3A_30 = vector.load %arg7[%get3A_28, %get3A_29] : memref<1x256xf32, #tpu.memory_space<vmem>>, vector<1x256xf32>
    %add3A_31 = vector.broadcast %get3A_30 : vector<1x256xf32> to vector<2048x256xf32>
    %add3A_32 = arith.addf %dot_general3A_27, %add3A_31 : vector<2048x256xf32>
    %swap3A = arith.constant 0 : index
    %swap3A_33 = arith.constant 0 : index
    %swap3A_34 = vector.load %arg8[%swap3A, %swap3A_33] : memref<2048x256xf32, #tpu.memory_space<vmem>>, vector<2048x256xf32>
    tpu.vector_store %arg8[%swap3A, %swap3A_33], %add3A_32 {strides = array<i32>} : memref<2048x256xf32, #tpu.memory_space<vmem>>, vector<2048x256xf32>,
    return
  }
  func.func @transform_0(%arg0: i32) -> (i32, i32) {
    %c0_i32 = arith.constant 0 : i32
    %c0_i32_0 = arith.constant 0 : i32
    return %arg0, %c0_i32 : i32, i32
  }
  func.func @transform_1(%arg0: i32) -> (i32, i32) {
    %c0_i32 = arith.constant 0 : i32
    %c0_i32_0 = arith.constant 0 : i32
    %c0_i32_1 = arith.constant 0 : i32
    return %c0_i32, %c0_i32_0 : i32, i32
  }
  func.func @transform_2(%arg0: i32) -> (i32, i32) {
    %c0_i32 = arith.constant 0 : i32
    %c0_i32_0 = arith.constant 0 : i32
    %c0_i32_1 = arith.constant 0 : i32
    return %c0_i32, %c0_i32_0 : i32, i32
  }
  func.func @transform_3(%arg0: i32) -> (i32, i32) {
    %c0_i32 = arith.constant 0 : i32
    %c0_i32_0 = arith.constant 0 : i32
    %c0_i32_1 = arith.constant 0 : i32
    return %c0_i32, %c0_i32_0 : i32, i32
  }
  func.func @transform_4(%arg0: i32) -> (i32, i32) {
    %c0_i32 = arith.constant 0 : i32
    %c0_i32_0 = arith.constant 0 : i32
    %c0_i32_1 = arith.constant 0 : i32
    return %c0_i32, %c0_i32_0 : i32, i32
  }
  func.func @transform_5(%arg0: i32) -> (i32, i32) {
    %c0_i32 = arith.constant 0 : i32
    %c0_i32_0 = arith.constant 0 : i32
    %c0_i32_1 = arith.constant 0 : i32
    return %c0_i32, %c0_i32_0 : i32, i32
  }
  func.func @transform_6(%arg0: i32) -> (i32, i32) {
    %c0_i32 = arith.constant 0 : i32
    %c0_i32_0 = arith.constant 0 : i32
    %c0_i32_1 = arith.constant 0 : i32
    return %c0_i32, %c0_i32_0 : i32, i32
  }
  func.func @transform_7(%arg0: i32) -> (i32, i32) {
    %c0_i32 = arith.constant 0 : i32
    %c0_i32_0 = arith.constant 0 : i32
    return %arg0, %c0_i32 : i32, i32
  }
}

module attributes {stable_mosaic.version = 14 : i64} {
  func.func @_mlp_single_body(%arg0: i32, %arg1: memref<8192x8xf32, #tpu.memory_space<vmem>>, %arg2: memref<8x32xf32, #tpu.memory_space<vmem>>, %arg3: memref<1x32xf32, #tpu.memory_space<vmem>>, %arg4: memref<32x128xf32, #tpu.memory_space<vmem>>, %arg5: memref<1x128xf32, #tpu.memory_space<vmem>>, %arg6: memref<128x32xf32, #tpu.memory_space<vmem>>, %arg7: memref<1x32xf32, #tpu.memory_space<vmem>>, %arg8: memref<32x8xf32, #tpu.memory_space<vmem>>, %arg9: memref<1x8xf32, #tpu.memory_space<vmem>>, %arg10: memref<8x3xf32, #tpu.memory_space<vmem>>, %arg11: memref<1x3xf32, #tpu.memory_space<vmem>>, %arg12: memref<8192x3xf32, #tpu.memory_space<vmem>>) attributes {dimension_semantics = [#tpu.dimension_semantics<arbitrary>], iteration_bounds = array<i64: 32>, scalar_prefetch = 0 : i64, scratch_operands = 0 : i64, tpu.core_type = #tpu.core_type<tc>, window_params = [{transform_indices = @transform_0, window_bounds = array<i64: 8192, 8>}, {pipeline_mode = #tpu.pipeline_mode<synchronous>, transform_indices = @transform_1, window_bounds = array<i64: 8, 32>}, {pipeline_mode = #tpu.pipeline_mode<synchronous>, transform_indices = @transform_2, window_bounds = array<i64: 1, 32>}, {pipeline_mode = #tpu.pipeline_mode<synchronous>, transform_indices = @transform_3, window_bounds = array<i64: 32, 128>}, {pipeline_mode = #tpu.pipeline_mode<synchronous>, transform_indices = @transform_4, window_bounds = array<i64: 1, 128>}, {pipeline_mode = #tpu.pipeline_mode<synchronous>, transform_indices = @transform_5, window_bounds = array<i64: 128, 32>}, {pipeline_mode = #tpu.pipeline_mode<synchronous>, transform_indices = @transform_6, window_bounds = array<i64: 1, 32>}, {pipeline_mode = #tpu.pipeline_mode<synchronous>, transform_indices = @transform_7, window_bounds = array<i64: 32, 8>}, {pipeline_mode = #tpu.pipeline_mode<synchronous>, transform_indices = @transform_8, window_bounds = array<i64: 1, 8>}, {pipeline_mode = #tpu.pipeline_mode<synchronous>, transform_indices = @transform_9, window_bounds = array<i64: 8, 3>}, {pipeline_mode = #tpu.pipeline_mode<synchronous>, transform_indices = @transform_10, window_bounds = array<i64: 1, 3>}, {transform_indices = @transform_11, window_bounds = array<i64: 8192, 3>}]} {
    %get3A = arith.constant 0 : index
    %get3A_0 = arith.constant 0 : index
    %get3A_1 = vector.load %arg1[%get3A, %get3A_0] : memref<8192x8xf32, #tpu.memory_space<vmem>>, vector<8192x8xf32>
    %get3A_2 = arith.constant 0 : index
    %get3A_3 = arith.constant 0 : index
    %get3A_4 = vector.load %arg2[%get3A_2, %get3A_3] : memref<8x32xf32, #tpu.memory_space<vmem>>, vector<8x32xf32>
    %get3A_5 = arith.constant 0 : index
    %get3A_6 = arith.constant 0 : index
    %get3A_7 = vector.load %arg3[%get3A_5, %get3A_6] : memref<1x32xf32, #tpu.memory_space<vmem>>, vector<1x32xf32>
    %convert_element_type3A = arith.truncf %get3A_1 : vector<8192x8xf32> to vector<8192x8xbf16>
    %convert_element_type3A_8 = arith.truncf %get3A_4 : vector<8x32xf32> to vector<8x32xbf16>
    %dot_general3A = arith.constant dense<0.000000e+00> : vector<8192x32xf32>
    %dot_general3A_9 = tpu.matmul %convert_element_type3A, %convert_element_type3A_8, %dot_general3A {dimension_numbers = #tpu.dot_dimension_numbers<[1], [0], [0], [1], [0, 0, 1, 1], [], []>, transpose_lhs_hint = false} : vector<8192x8xbf16>, vector<8x32xbf16>, vector<8192x32xf32> -> vector<8192x32xf32>
    %add3A = vector.broadcast %get3A_7 : vector<1x32xf32> to vector<8192x32xf32>
    %add3A_10 = arith.addf %dot_general3A_9, %add3A : vector<8192x32xf32>
    %max3A = arith.constant 0.000000e+00 : f32
    %max3A_11 = vector.broadcast %max3A : f32 to vector<8192x32xf32>
    %max3A_12 = arith.maximumf %add3A_10, %max3A_11 : vector<8192x32xf32>
    %get3A_13 = arith.constant 0 : index
    %get3A_14 = arith.constant 0 : index
    %get3A_15 = vector.load %arg4[%get3A_13, %get3A_14] : memref<32x128xf32, #tpu.memory_space<vmem>>, vector<32x128xf32>
    %get3A_16 = arith.constant 0 : index
    %get3A_17 = arith.constant 0 : index
    %get3A_18 = vector.load %arg5[%get3A_16, %get3A_17] : memref<1x128xf32, #tpu.memory_space<vmem>>, vector<1x128xf32>
    %convert_element_type3A_19 = arith.truncf %max3A_12 : vector<8192x32xf32> to vector<8192x32xbf16>
    %convert_element_type3A_20 = arith.truncf %get3A_15 : vector<32x128xf32> to vector<32x128xbf16>
    %dot_general3A_21 = arith.constant dense<0.000000e+00> : vector<8192x128xf32>
    %dot_general3A_22 = tpu.matmul %convert_element_type3A_19, %convert_element_type3A_20, %dot_general3A_21 {dimension_numbers = #tpu.dot_dimension_numbers<[1], [0], [0], [1], [0, 0, 1, 1], [], []>, transpose_lhs_hint = false} : vector<8192x32xbf16>, vector<32x128xbf16>, vector<8192x128xf32> -> vector<8192x128xf32>
    %add3A_23 = vector.broadcast %get3A_18 : vector<1x128xf32> to vector<8192x128xf32>
    %add3A_24 = arith.addf %dot_general3A_22, %add3A_23 : vector<8192x128xf32>
    %max3A_25 = arith.constant 0.000000e+00 : f32
    %max3A_26 = vector.broadcast %max3A_25 : f32 to vector<8192x128xf32>
    %max3A_27 = arith.maximumf %add3A_24, %max3A_26 : vector<8192x128xf32>
    %get3A_28 = arith.constant 0 : index
    %get3A_29 = arith.constant 0 : index
    %get3A_30 = vector.load %arg6[%get3A_28, %get3A_29] : memref<128x32xf32, #tpu.memory_space<vmem>>, vector<128x32xf32>
    %get3A_31 = arith.constant 0 : index
    %get3A_32 = arith.constant 0 : index
    %get3A_33 = vector.load %arg7[%get3A_31, %get3A_32] : memref<1x32xf32, #tpu.memory_space<vmem>>, vector<1x32xf32>
    %convert_element_type3A_34 = arith.truncf %max3A_27 : vector<8192x128xf32> to vector<8192x128xbf16>
    %convert_element_type3A_35 = arith.truncf %get3A_30 : vector<128x32xf32> to vector<128x32xbf16>
    %dot_general3A_36 = arith.constant dense<0.000000e+00> : vector<8192x32xf32>
    %dot_general3A_37 = tpu.matmul %convert_element_type3A_34, %convert_element_type3A_35, %dot_general3A_36 {dimension_numbers = #tpu.dot_dimension_numbers<[1], [0], [0], [1], [0, 0, 1, 1], [], []>, transpose_lhs_hint = false} : vector<8192x128xbf16>, vector<128x32xbf16>, vector<8192x32xf32> -> vector<8192x32xf32>
    %add3A_38 = vector.broadcast %get3A_33 : vector<1x32xf32> to vector<8192x32xf32>
    %add3A_39 = arith.addf %dot_general3A_37, %add3A_38 : vector<8192x32xf32>
    %max3A_40 = arith.constant 0.000000e+00 : f32
    %max3A_41 = vector.broadcast %max3A_40 : f32 to vector<8192x32xf32>
    %max3A_42 = arith.maximumf %add3A_39, %max3A_41 : vector<8192x32xf32>
    %get3A_43 = arith.constant 0 : index
    %get3A_44 = arith.constant 0 : index
    %get3A_45 = vector.load %arg8[%get3A_43, %get3A_44] : memref<32x8xf32, #tpu.memory_space<vmem>>, vector<32x8xf32>
    %get3A_46 = arith.constant 0 : index
    %get3A_47 = arith.constant 0 : index
    %get3A_48 = vector.load %arg9[%get3A_46, %get3A_47] : memref<1x8xf32, #tpu.memory_space<vmem>>, vector<1x8xf32>
    %convert_element_type3A_49 = arith.truncf %max3A_42 : vector<8192x32xf32> to vector<8192x32xbf16>
    %convert_element_type3A_50 = arith.truncf %get3A_45 : vector<32x8xf32> to vector<32x8xbf16>
    %dot_general3A_51 = arith.constant dense<0.000000e+00> : vector<8192x8xf32>
    %dot_general3A_52 = tpu.matmul %convert_element_type3A_49, %convert_element_type3A_50, %dot_general3A_51 {dimension_numbers = #tpu.dot_dimension_numbers<[1], [0], [0], [1], [0, 0, 1, 1], [], []>, transpose_lhs_hint = false} : vector<8192x32xbf16>, vector<32x8xbf16>, vector<8192x8xf32> -> vector<8192x8xf32>
    %add3A_53 = vector.broadcast %get3A_48 : vector<1x8xf32> to vector<8192x8xf32>
    %add3A_54 = arith.addf %dot_general3A_52, %add3A_53 : vector<8192x8xf32>
    %max3A_55 = arith.constant 0.000000e+00 : f32
    %max3A_56 = vector.broadcast %max3A_55 : f32 to vector<8192x8xf32>
    %max3A_57 = arith.maximumf %add3A_54, %max3A_56 : vector<8192x8xf32>
    %get3A_58 = arith.constant 0 : index
    %get3A_59 = arith.constant 0 : index
    %get3A_60 = vector.load %arg10[%get3A_58, %get3A_59] : memref<8x3xf32, #tpu.memory_space<vmem>>, vector<8x3xf32>
    %get3A_61 = arith.constant 0 : index
    %get3A_62 = arith.constant 0 : index
    %get3A_63 = vector.load %arg11[%get3A_61, %get3A_62] : memref<1x3xf32, #tpu.memory_space<vmem>>, vector<1x3xf32>
    %convert_element_type3A_64 = arith.truncf %max3A_57 : vector<8192x8xf32> to vector<8192x8xbf16>
    %convert_element_type3A_65 = arith.truncf %get3A_60 : vector<8x3xf32> to vector<8x3xbf16>
    %dot_general3A_66 = arith.constant dense<0.000000e+00> : vector<8192x3xf32>
    %dot_general3A_67 = tpu.matmul %convert_element_type3A_64, %convert_element_type3A_65, %dot_general3A_66 {dimension_numbers = #tpu.dot_dimension_numbers<[1], [0], [0], [1], [0, 0, 1, 1], [], []>, transpose_lhs_hint = false} : vector<8192x8xbf16>, vector<8x3xbf16>, vector<8192x3xf32> -> vector<8192x3xf32>
    %add3A_68 = vector.broadcast %get3A_63 : vector<1x3xf32> to vector<8192x3xf32>
    %add3A_69 = arith.addf %dot_general3A_67, %add3A_68 : vector<8192x3xf32>
    %swap3A = arith.constant 0 : index
    %swap3A_70 = arith.constant 0 : index
    %swap3A_71 = vector.load %arg12[%swap3A, %swap3A_70] : memref<8192x3xf32, #tpu.memory_space<vmem>>, vector<8192x3xf32>
    tpu.vector_store %arg12[%swap3A, %swap3A_70], %add3A_69 {strides = array<i32>} : memref<8192x3xf32, #tpu.memory_space<vmem>>, vector<8192x3xf32>,
    return
  }
  func.func @transform_0(%arg0: i32) -> (i32, i32) {
    %c0_i32 = arith.constant 0 : i32
    %c0_i32_0 = arith.constant 0 : i32
    return %arg0, %c0_i32 : i32, i32
  }
  func.func @transform_1(%arg0: i32) -> (i32, i32) {
    %c0_i32 = arith.constant 0 : i32
    %c0_i32_0 = arith.constant 0 : i32
    %c0_i32_1 = arith.constant 0 : i32
    return %c0_i32, %c0_i32_0 : i32, i32
  }
  func.func @transform_2(%arg0: i32) -> (i32, i32) {
    %c0_i32 = arith.constant 0 : i32
    %c0_i32_0 = arith.constant 0 : i32
    %c0_i32_1 = arith.constant 0 : i32
    return %c0_i32, %c0_i32_0 : i32, i32
  }
  func.func @transform_3(%arg0: i32) -> (i32, i32) {
    %c0_i32 = arith.constant 0 : i32
    %c0_i32_0 = arith.constant 0 : i32
    %c0_i32_1 = arith.constant 0 : i32
    return %c0_i32, %c0_i32_0 : i32, i32
  }
  func.func @transform_4(%arg0: i32) -> (i32, i32) {
    %c0_i32 = arith.constant 0 : i32
    %c0_i32_0 = arith.constant 0 : i32
    %c0_i32_1 = arith.constant 0 : i32
    return %c0_i32, %c0_i32_0 : i32, i32
  }
  func.func @transform_5(%arg0: i32) -> (i32, i32) {
    %c0_i32 = arith.constant 0 : i32
    %c0_i32_0 = arith.constant 0 : i32
    %c0_i32_1 = arith.constant 0 : i32
    return %c0_i32, %c0_i32_0 : i32, i32
  }
  func.func @transform_6(%arg0: i32) -> (i32, i32) {
    %c0_i32 = arith.constant 0 : i32
    %c0_i32_0 = arith.constant 0 : i32
    %c0_i32_1 = arith.constant 0 : i32
    return %c0_i32, %c0_i32_0 : i32, i32
  }
  func.func @transform_7(%arg0: i32) -> (i32, i32) {
    %c0_i32 = arith.constant 0 : i32
    %c0_i32_0 = arith.constant 0 : i32
    %c0_i32_1 = arith.constant 0 : i32
    return %c0_i32, %c0_i32_0 : i32, i32
  }
  func.func @transform_8(%arg0: i32) -> (i32, i32) {
    %c0_i32 = arith.constant 0 : i32
    %c0_i32_0 = arith.constant 0 : i32
    %c0_i32_1 = arith.constant 0 : i32
    return %c0_i32, %c0_i32_0 : i32, i32
  }
  func.func @transform_9(%arg0: i32) -> (i32, i32) {
    %c0_i32 = arith.constant 0 : i32
    %c0_i32_0 = arith.constant 0 : i32
    %c0_i32_1 = arith.constant 0 : i32
    return %c0_i32, %c0_i32_0 : i32, i32
  }
  func.func @transform_10(%arg0: i32) -> (i32, i32) {
    %c0_i32 = arith.constant 0 : i32
    %c0_i32_0 = arith.constant 0 : i32
    %c0_i32_1 = arith.constant 0 : i32
    return %c0_i32, %c0_i32_0 : i32, i32
  }
  func.func @transform_11(%arg0: i32) -> (i32, i32) {
    %c0_i32 = arith.constant 0 : i32
    %c0_i32_0 = arith.constant 0 : i32
    return %arg0, %c0_i32 : i32, i32
  }
}

</mosaic_0001>

<sc_bundles>
// kernel: gather_offload_async_start
scs
__scs_entry_jumppad:
0x0: {  	(pc) =	sbr.rel $0x88, $3  }
0x1: {  	(tag) =	ssettag $0x0;
	lr =	simm.s32 $0x1  }
0x2: {  	[smem:$0x3F4E] =	sst lr;
	_ =	strace $0xD0000000  }
0x3: {  	_ = 	snop  }
0x4: {  	_ = 	snop  }
0x5: {  	_ = 	snop  }
0x6: {  	_ = 	snop  }
0x7: {  	_ = 	snop  }
__scs_overlays_trampoline_lowered:
0x8: {  	[smem:$0x3F5D] =	sst s0  }
0x9: {  	[smem:$0x3F5E] =	sst s1  }
0xa: {  	[smem:$0x3F5F] =	sst s2  }
0xb: {  	[smem:$0x3F60] =	sst s3  }
0xc: {  	[smem:$0x3F61] =	sst s4  }
0xd: {  	[smem:$0x3F62] =	sst s5  }
0xe: {  	[smem:$0x3F63] =	sst s6  }
0xf: {  	[smem:$0x3F64] =	sst s7  }
0x10: {  	[smem:$0x3F65] =	sst s8  }
0x11: {  	[smem:$0x3F66] =	sst s9;
	s0 =	simm.s32 @!p0 $0x0  }
0x12: {  	s1 =	sld [smem:$0x3F4C];
	s0 =	simm.s32 @p0 $0x1  }
0x13: {  	[smem:$0x3F67] =	sst s0;
	s0 =	simm.s32 @!p1 $0x0  }
0x14: {  	s2 =	sld [smem:$0x3F4B];
	s0 =	simm.s32 @p1 $0x1  }
0x15: {  	[smem:$0x3F68] =	sst s0;
	s0 =	simm.s32 @!p2 $0x0  }
0x16: {  	s3 =	sld [smem:$0x3FDB];
	s0 =	simm.s32 @p2 $0x1  }
0x17: {  	s4 =	simm.s32 $0x1BF5;
	[smem:$0x3F6A] =	sst s0  }
0x18: {  	s0 =	sld [smem:$0x3F4D];
	_ =	swait.ge [sflag:s4], $0x0  }
0x19: {  	s7 =	sld [smem:$0x3F4E]  }
0x1a: {  	s8 =	sadd.s32 $0xFFFFE003, lr  }
0x1b: {  	s9 =	sadd.s32 $0xFFFFFEF7, lr;
	s5 =	simm.s32 $0xFFFFFFFF;
	p2 =	slt.u32 s8, $0xFFFFF086  }
0x1c: {  	p1 =	slt.u32 s9, $0xF7A;
	s5 =	simm.s32 @!p2 $0x0  }
0x1d: {  	s5 =	simm.s32 @p1 $0x1;
	p0 =	seq.s32 s7, s2  }
0x1e: {  	s7 =	smul.u32 @!p0 $0xF7A, s2;
	p2 =	seq.s32 @!p0 s5, $0x0  }
0x1f: {  	s9 =	smul.u32 $0xF7A, s1;
	s8 =	simm.s32 @!p0 $0x1BF5;
	p2 =	por !p2, p0  }
0x20: {  	[sflag:s8] =	ssyncset.s32 @!p0 $0xFFFFF086;
	s6 =	sadd.s32 @!p0 s3, s7;
	s7 =	simm.s32 @!p0 $0x108  }
0x21: {  	s3 =	sadd.s32 s3, s9;
	s6 =	sadd.s32 @!p0 $0x88, s6;
	s7 =	simm.s32 @p2 $0x1082  }
0x22: {  	[simem:s7], [sflag:s8] =	dma.local @!p0 [hbm:s6], $0xF7A  }
0x23: {  	s9 =	sor.u32 $0xD0000000, s2;
	s6 =	simm.s32 $0x108;
	_ =	swait.ge @!p0 [sflag:s8], $0x0  }
0x24: {  	s3 =	sadd.s32 $0x88, s3;
	s6 =	simm.s32 @!p1 $0x1082;
	[sflag:s4] =	ssyncset.s32 $0xFFFFF086  }
0x25: {  	[simem:s6], [sflag:s4] =	dma.local [hbm:s3], $0xF7A  }
0x26: {  	[smem:$0x3F4E] =	sst s1;
	(tag) =	ssettag s2;
	_ =	strace s9  }
0x27: {  	s1 =	sld [smem:$0x3F5E]  }
0x28: {  	s2 =	sld [smem:$0x3F5F]  }
0x29: {  	s4 =	sld [smem:$0x3F61]  }
0x2a: {  	p0 =	seq.s32 s5, $0x0;
	s5 =	sld [smem:$0x3F62]  }
0x2b: {  	s6 =	sld [smem:$0x3F63]  }
0x2c: {  	s7 =	sld [smem:$0x3F64]  }
0x2d: {  	s3 =	simm.s32 $0x108;
	s8 =	sld [smem:$0x3F65]  }
0x2e: {  	s3 =	simm.s32 @!p0 $0x1082;
	s9 =	sld [smem:$0x3F66]  }
0x2f: {  	lr =	sadd.s32 s0, s3;
	s0 =	sld [smem:$0x3F5D]  }
0x30: {  	s3 =	sld [smem:$0x3F60]  }
0x31: {  	[smem:$0x3F69] =	sst s10  }
0x32: {  	s10 =	sld [smem:$0x3F67];
	_ =	sdelay $0x3  }
0x33: {  	p0 =	seq.s32 s10, $0x1;
	s10 =	sld [smem:$0x3F69];
	_ =	sdelay $0x3  }
0x34: {  	[smem:$0x3F69] =	sst s10  }
0x35: {  	s10 =	sld [smem:$0x3F68];
	_ =	sdelay $0x3  }
0x36: {  	p1 =	seq.s32 s10, $0x1;
	s10 =	sld [smem:$0x3F69];
	_ =	sdelay $0x3  }
0x37: {  	[smem:$0x3F69] =	sst s10  }
0x38: {  	s10 =	sld [smem:$0x3F6A]  }
0x39: {  	_ = 	snop;
	(pc) =	sbr.ind lr, $3  }
0x3a: {  	_ = 	snop  }
0x3b: {  	_ = 	snop  }
0x3c: {  	p2 =	seq.s32 s10, $0x1;
	s10 =	sld [smem:$0x3F69]  }
0x3d: {  	_ =	shalt  }
0x3e: {  	_ =	shalt  }
0x3f: {  	_ =	shalt  }
0x40: {  	_ =	shalt  }
0x41: {  	_ =	shalt  }
0x42: {  	_ =	shalt  }
0x43: {  	_ =	shalt  }
0x44: {  	_ =	shalt  }
0x45: {  	_ =	shalt  }
0x46: {  	_ =	shalt  }
0x47: {  	_ =	shalt  }
0x48: {  	_ =	shalt  }
0x49: {  	_ =	shalt  }
0x4a: {  	_ =	shalt  }
0x4b: {  	_ =	shalt  }
0x4c: {  	_ =	shalt  }
0x4d: {  	_ =	shalt  }
0x4e: {  	_ =	shalt  }
0x4f: {  	_ =	shalt  }
0x50: {  	_ =	shalt  }
0x51: {  	_ =	shalt  }
0x52: {  	_ =	shalt  }
0x53: {  	_ =	shalt  }
0x54: {  	_ =	shalt  }
0x55: {  	_ =	shalt  }
0x56: {  	_ =	shalt  }
0x57: {  	_ =	shalt  }
0x58: {  	_ =	shalt  }
0x59: {  	_ =	shalt  }
0x5a: {  	_ =	shalt  }
0x5b: {  	_ =	shalt  }
0x5c: {  	_ =	shalt  }
0x5d: {  	_ =	shalt  }
0x5e: {  	_ =	shalt  }
0x5f: {  	_ =	shalt  }
0x60: {  	_ =	shalt  }
0x61: {  	_ =	shalt  }
0x62: {  	_ =	shalt  }
0x63: {  	_ =	shalt  }
0x64: {  	_ =	shalt  }
0x65: {  	_ =	shalt  }
0x66: {  	_ =	shalt  }
0x67: {  	_ =	shalt  }
0x68: {  	_ =	shalt  }
0x69: {  	_ =	shalt  }
0x6a: {  	_ =	shalt  }
0x6b: {  	_ =	shalt  }
0x6c: {  	_ =	shalt  }
0x6d: {  	_ =	shalt  }
0x6e: {  	_ =	shalt  }
0x6f: {  	_ =	shalt  }
0x70: {  	_ =	shalt  }
0x71: {  	_ =	shalt  }
0x72: {  	_ =	shalt  }
0x73: {  	_ =	shalt  }
0x74: {  	_ =	shalt  }
0x75: {  	_ =	shalt  }
0x76: {  	_ =	shalt  }
0x77: {  	_ =	shalt  }
0x78: {  	_ =	shalt  }
0x79: {  	_ =	shalt  }
0x7a: {  	_ =	shalt  }
0x7b: {  	_ =	shalt  }
0x7c: {  	_ =	shalt  }
0x7d: {  	_ =	shalt  }
0x7e: {  	_ =	shalt  }
0x7f: {  	_ =	shalt  }
0x80: {  	_ =	shalt  }
0x81: {  	_ =	shalt  }
0x82: {  	_ =	shalt  }
0x83: {  	_ =	shalt  }
0x84: {  	_ =	shalt  }
0x85: {  	_ =	shalt  }
0x86: {  	_ =	shalt  }
0x87: {  	_ =	shalt  }
.Lfunc_end0:
.L_simem_size_0:
called_computation_lowered:
.L_overlay_start_0:
0x88: {  	s2 =	sld [smem:$0x3FD9]  }
0x89: {  	s3 =	sld [smem:$0x3FFE];
	_ =	sdelay $0x1  }
0x8a: {  	s1 =	srdreg.scid  }
0x8b: {  	s0 =	sand.u32 $0x1, s1  }
0x8c: {  	s17 =	sshll.u32 s0, $0xA;
	s2 =	sadd.s32 s3, s2  }
0x8d: {  	s2 =	sadd.s32 s2, s17  }
0x8e: {  	[smem:$0x3F75] =	sst s2  }
0x8f: {  	_ = 	snop  }
0x90: {  	s2 =	sld [smem:$0x3FD0];
	(tm) =	ssettm $0x1  }
0x91: {  	s18 =	sld [smem:$0x3FFB];
	_ =	sdelay $0x3  }
0x92: {  	_ =	strace s18  }
0x93: {  	s3 =	sld [smem:$0x3FFC];
	_ =	sdelay $0x3  }
0x94: {  	_ =	strace s3  }
0x95: {  	s3 =	sld [smem:$0x3FFD];
	_ =	sdelay $0x3  }
0x96: {  	_ =	strace s3  }
0x97: {  	_ =	strace $0x8FFFFFFF  }
0x98: {  	s19 =	sld [smem:$0x3FDB];
	_ =	sdelay $0x1  }
0x99: {  	s4 =	simm.s32 $_scs_section_size  }
0x9a: {  	s5 =	simm.s32 $_size__tile_overlayer_lowered;
	s6 =	simm.s32 $_tile_overlayer_lowered  }
0x9b: {  	s22 =	simm.s32 $0x1BFF;
	s21 =	sshll.u32 s6, $0x1;
	s3 =	sadd.s32 s4, s19  }
0x9c: {  	s7 =	simm.s32 $0x0;
	s20 =	sshll.u32 s5, $0x1;
	s5 =	sadd.s32 s21, s3  }
0x9d: {  	[timem:s7], [sflag:s22] =	dma.local [hbm:s5], s20  }
0x9e: {  	_ =	swait.ge [sflag:s22], s20  }
0x9f: {  	s4 =	ssub.s32 $0x0, s20;
	[sflag:s22] =	ssyncset.done $0x0  }
0xa0: {  	[sflag:s22] =	ssyncadd.s32 s4;
	_ =	sdelay $0x1  }
0xa1: {  	s23 =	simm.s32 $0x1B8B  }
0xa2: {  	_ =	swait.ge [sflag:s23], $0x1  }
0xa3: {  	[sflag:s23] =	ssyncset.done $0x0  }
0xa4: {  	s25 =	simm.s32 $0x1B8E;
	s24 =	sld [smem:$0x3FFE];
	[sflag:s23] =	ssyncadd.s32 $0xFFFFFFFF  }
0xa5: {  	s26 =	simm.s32 $execute0_lowered;
	[smem:$0x3FD2] =	sst s25  }
0xa6: {  	s5 =	sshll.u32 s26, $0x1;
	_ =	strace $0x80000046;
	[dreg:$0x1] =	wrdreg $0xFFFFFFFF  }
0xa7: {  	s28 =	simm.s32 $_size_execute0_lowered;
	s3 =	sadd.s32 s3, s5;
	[dreg:$0x0] =	wrdreg $0x0  }
0xa8: {  	s5 =	sshll.u32 s28, $0x1;
	[dreg:$0x2] =	wrdreg s3  }
0xa9: {  	[dreg:$0x3] =	wrdreg s5  }
0xaa: {  	[dreg:$0x4] =	wrdreg $0xC0  }
0xab: {  	_ =	task [dreg:s7], $0x5FFFF  }
0xac: {  	[dreg:$0x1] =	wrdreg $0xFFFFFFFF  }
0xad: {  	[dreg:$0x0] =	wrdreg $0x60  }
0xae: {  	[dreg:$0x2] =	wrdreg s24  }
0xaf: {  	[dreg:$0x3] =	wrdreg s2  }
0xb0: {  	[dreg:$0x4] =	wrdreg $0x9  }
0xb1: {  	_ =	task.clear_ibuf [dreg:s7], $0x5FFFF;
	_ =	strace $0x90000046  }
0xb2: {  	s29 =	simm.s32 $0x9;
	_ =	strace $0x80000048  }
0xb3: {  	_ =	swait.ge [sflag:s29], $0x1  }
0xb4: {  	[sflag:s29] =	ssyncadd.s32 $0xFFFFFFFF  }
0xb5: {  	_ =	strace $0x90000048  }
0xb6: {  	_ =	sfence  }
0xb7: {  	s30 =	sld [smem:$0x0];
	_ =	sdelay $0x2  }
0xb8: {  	s31 =	sshll.u32 s1, $0xD;
	s1 =	sshrl.u32 s1, $0x2  }
0xb9: {  	s3 =	sand.u32 $0x4000, s31;
	s1 =	sadd.s32 s1, s30  }
0xba: {  	s0 =	sor.u32 s3, s0;
	s1 =	sshll.u32 s1, $0x11  }
0xbb: {  	s0 =	sor.u32 s1, s0  }
0xbc: {  	s0 =	sadd.s32 $0x8F2B, s0  }
0xbd: {  	[sflag:s0] =	ssyncadd.remote.s32 $0x1  }
0xbe: {  	_ =	sfence.sel $0xFFFF  }
0xbf: {  	[dreg:$0x0] =	wrdreg $0xFFFFFFFF;
	(pc) =	sbr.abs _section_cstart, $3  }
0xc0: {  	[dreg:$0x1] =	wrdreg $0xFFFFFFFF  }
0xc1: {  	_ =	task.clear_ibuf [dreg:s7], $0x2FFFF;
	_ =	strace $0x9FFFFFFF  }
0xc2: {  	(tm) =	ssettm $0x7FFFFFFF  }
0xc3: {  	_ =	shalt  }
tec
execute0_lowered:
.L_overlay_start_1:
0x0: {  	(tag) =	ssettag $0x1  }
0x1: {  	s1 =	srdreg.scid;
	s5 =	rddreg [dreg:$0x0]  }
0x2: {  	s0 =	stileid.u32;
	s2 =	rddreg [dreg:$0x1];
	s6 =	simm.s32 $0x1  }
0x3: {  	s9 =	simm.s32 $0x1;
	s10 =	simm.s32 $0x3;
	s1 =	sshll.u32 s1, $0x9  }
0x4: {  	s13 =	simm.s32 $0x0;
	s3 =	sshll.u32 s0, $0xA;
	s4 =	sand.u32 $0x200, s1  }
0x5: {  	s12 =	simm.s32 $0x0;
	s1 =	rddreg [dreg:$0x2];
	s3 =	sor.u32 s3, s4  }
0x6: {  	_ =	strace $0x80000047;
	s4 =	sadd.s32 $0x2AC00, s5;
	s8 =	ssub.s32 $0x6000, s3  }
.Ltmp0:
0x7: {  	s5 =	sadd.s32 $0x1C5C00, s5;
	s7 =	sand.u32 $0x3E00, s8;
	(pc) =	sbr.rel .LBB2_1-.Ltmp0, $4  }
0x8: {  	[sflag:s6] =	ssyncpa.u1 $0x0;
	s11 =	smov.u32 s3;
	p0 =	sne.s32 s7, $0x0  }
0x9: {  	s8 =	sshrl.u32 s8, $0xE;
	s7 =	simm.s32 $0x2;
	s9 =	simm.s32 @!p0 $0x0  }
0xa: {  	[sflag:s7] =	ssyncpa.u1 $0x0;
	p0 =	por $0x0, $0x0;
	s8 =	sadd.s32 s9, s8  }
0xb: {  	vm0 =	vmmov $0xffff;
	[sflag:s10] =	ssyncpa.u1 $0x0;
	s10 =	simm.s32 $0x0;
	s9 =	sadd.s32 $0x1, s8  }
.LBB2_4:
0xc: {  	vm1 =	veq.s32 v0, $0x80000000;
	v63 =	vand.u32 $0x1FFF, v0;
	v2 =	vand.u32 $0x7FF, v2  }
0xd: {  	v0 =	vsel vm1, $0xFFFFFFFF, v63;
	v2 =	vsel vm1, $0xFFFFFFFF, v2  }
0xe: {  	v3 =	vshll.u32 v2, $0xD;
	v4 =	vshll.u32 v0, $0x3  }
0xf: {  	v2 =	vshll.u32 v2, $0x7;
	v3 =	vand.u32 $0xFFFF0000, v3;
	v4 =	vand.u32 $0xFFFFFC00, v4  }
0x10: {  	v2 =	vand.u32 $0x380, v2;
	v3 =	vadd.s32 v4, v3  }
0x11: {  	v0 =	vand.u32 $0x7F, v0;
	v2 =	vor.u32 v2, v3  }
0x12: {  	v0 =	vor.u32 v0, v2;
	_ =	sdelay $0x1  }
0x13: {  	(ifvalue) =	ssetifvalue $0x7FFFFFFF;
	s14 =	sadd.s32 $0x10, s14  }
0x14: {  	[tilespmem:s14], [sflag:$0x1] =	stream.indirect_vreg.gather [hbm4b:s4+s10], $0x1, v1, vm0, $0x4038;
	[tilespmem:$0x800] =	vst v63  }
0x15: {  	(ifvalue) =	ssetifvalue $0x7FFFFFFF;
	s14 =	sadd.s32 $0x10, s14  }
0x16: {  	[tilespmem:s14], [sflag:$0x1] =	stream.indirect_vreg.gather [hbm4b:s4+s10], $0x1, v0, vm0, $0x4038;
	[tilespmem:$0x800] =	vst v63  }
0x17: {  	_ =	swait.ge [sflag:s6], $0x200  }
0x18: {  	s30 =	sshrl.u32 s13, $0x3;
	[sflag:s6] =	ssyncset.done $0x0  }
0x19: {  	s31 =	sand.u32 $0x7, s13;
	s14 =	sadd.s32 s2, s30;
	[sflag:s6] =	ssyncadd.s32 $0xFFFFFE00  }
0x1a: {  	[hbm4b:s14+s31] =	stream.linear.scatter [tilespmem:s15], [sflag:$0x3], $0x200, $0x38;
	[tilespmem:$0x800] =	vst v63  }
.LBB2_5:
0x1b: {  	s15 =	sadd.s32 $0x4000, s11  }
0x1c: {  	p2 =	sgt.s32 s15, $0x5FFF  }
0x1d: {  	s15 =	smov.u32 @p2 s3;
	p2 =	sne.s32 s12, s9  }
.Ltmp1:
0x1e: {  	p1 =	slt.u32 s12, $0x2;
	(pc) =	sbr.rel @!p2 .LBB2_6-.Ltmp1, $4  }
0x1f: {  	s14 =	simm.s32 @!p1 $0x3  }
0x20: {  	s16 =	sadd.s32 $0x1, s12;
	_ =	swait.ge @!p1 [sflag:s14], $0x200  }
0x21: {  	s13 =	smov.u32 s11;
	p0 =	por !p0, !p0;
	[sflag:s14] =	ssyncset.done @!p1 $0x0  }
0x22: {  	s12 =	smov.u32 s16;
	s11 =	smov.u32 s15;
	[sflag:s14] =	ssyncadd.s32 @!p1 $0xFFFFFE00  }
.LBB2_1:
0x23: {  	p1 =	sge.u32 s12, s8  }
0x24: {  	s14 =	sxor.u32 @!p1 $0xFFFFFFFF, s12  }
0x25: {  	s31 =	sadd.s32 $0xFFFFFFFF, s12;
	s15 =	sshrl.u32 @!p1 s11, $0x3;
	s14 =	sshll.u32 @!p1 s14, $0x9  }
0x26: {  	s16 =	sand.u32 @!p1 $0x7, s11;
	s15 =	sadd.s32 @!p1 s5, s15;
	s14 =	sand.u32 @!p1 $0x200, s14  }
0x27: {  	[tilespmem:s14], [sflag:$0x2] =	stream.linear.gather @!p1 [hbm4b:s15+s16], $0x200, $0x38;
	[tilespmem:$0x800] =	vst v63  }
0x28: {  	p1 =	sge.u32 s31, s8  }
.Ltmp2:
0x29: {  	_ = 	snop;
	(pc) =	sbr.rel @p1 .LBB2_5-.Ltmp2, $1  }
0x2a: {  	_ =	sdelay $0x3  }
0x2b: {  	s14 =	simm.s32 $0x1  }
0x2c: {  	_ =	swait.ge [sflag:s7], $0x200;
	s14 =	simm.s32 @!p0 $0x0  }
0x2d: {  	[sflag:s7] =	ssyncset.done $0x0;
	s14 =	sshll.u32 s14, $0x9  }
0x2e: {  	[sflag:s7] =	ssyncadd.s32 $0xFFFFFE00;
	(ifvalue) =	ssetifvalue $0x7FFFFFFF;
	v0 =	vld.msk [tilespmem:s14+$0x0 ss:$0x1], $0xffff;
	_ =	sdelay $0x4  }
0x2f: {  	s15 =	sadd.s32 $0x10, s14;
	v1 =	vshrl.u32 v0, $0xD  }
0x30: {  	v2 =	vld.msk [tilespmem:s15+$0x0 ss:$0x1], $0xffff;
	vm1 =	veq.s32 v0, $0x80000000;
	v0 =	vand.u32 $0x1FFF, v0;
	v1 =	vand.u32 $0x7FF, v1  }
0x31: {  	v0 =	vsel vm1, $0xFFFFFFFF, v0;
	v1 =	vsel vm1, $0xFFFFFFFF, v1  }
0x32: {  	v4 =	vshll.u32 v0, $0x3;
	v3 =	vshll.u32 v1, $0xD  }
0x33: {  	v4 =	vand.u32 $0xFFFFFC00, v4;
	v1 =	vshll.u32 v1, $0x7;
	v3 =	vand.u32 $0xFFFF0000, v3  }
0x34: {  	v0 =	vand.u32 $0x7F, v0;
	v1 =	vand.u32 $0x380, v1;
	v3 =	vadd.s32 v4, v3  }
0x35: {  	vm1 =	veq.s32 v2, $0x80000000;
	v1 =	vor.u32 v1, v3;
	v3 =	vshrl.u32 v2, $0xD  }
0x36: {  	s17 =	sadd.s32 $0x10, s15;
	v2 =	vand.u32 $0x1FFF, v2;
	v1 =	vor.u32 v0, v1;
	v3 =	vand.u32 $0x7FF, v3  }
0x37: {  	v0 =	vld.msk [tilespmem:s17+$0x0 ss:$0x1], $0xffff;
	v2 =	vsel vm1, $0xFFFFFFFF, v2;
	v3 =	vsel vm1, $0xFFFFFFFF, v3  }
0x38: {  	v5 =	vshll.u32 v2, $0x3;
	v63 =	vshll.u32 v3, $0xD  }
0x39: {  	s31 =	sshll.u32 s12, $0x9;
	v5 =	vand.u32 $0xFFFFFC00, v5;
	v3 =	vshll.u32 v3, $0x7;
	v4 =	vand.u32 $0xFFFF0000, v63  }
0x3a: {  	s14 =	sor.u32 $0x400, s14;
	s15 =	sand.u32 $0x200, s31;
	(ifvalue) =	ssetifvalue $0x7FFFFFFF;
	v3 =	vand.u32 $0x380, v3;
	v4 =	vadd.s32 v5, v4  }
0x3b: {  	[tilespmem:s14], [sflag:$0x1] =	stream.indirect_vreg.gather [hbm4b:s4+s10], $0x1, v1, vm0, $0x4038;
	v1 =	vand.u32 $0x7F, v2;
	v3 =	vor.u32 v3, v4;
	[tilespmem:$0x800] =	vst v63  }
0x3c: {  	s16 =	simm.s32 $0x20;
	s15 =	sor.u32 $0x400, s15;
	s17 =	sadd.s32 $0x10, s17;
	v2 =	vshrl.u32 v0, $0xD;
	v1 =	vor.u32 v1, v3  }
.LBB2_3:
0x3d: {  	s16 =	sadd.s32 $0x10, s16;
	vm1 =	veq.s32 v0, $0x80000000;
	v3 =	vand.u32 $0x1FFF, v0;
	v0 =	vld.msk [tilespmem:s17+$0x0 ss:$0x1], $0xffff;
	v2 =	vand.u32 $0x7FF, v2  }
0x3e: {  	p1 =	slt.u32 s16, $0x1F0;
	v3 =	vsel vm1, $0xFFFFFFFF, v3;
	v2 =	vsel vm1, $0xFFFFFFFF, v2  }
.Ltmp3:
0x3f: {  	v4 =	vshll.u32 v2, $0xD;
	v5 =	vshll.u32 v3, $0x3;
	(pc) =	sbr.rel @p1 .LBB2_3-.Ltmp3, $4  }
0x40: {  	s14 =	sadd.s32 $0x10, s14;
	v2 =	vshll.u32 v2, $0x7;
	v4 =	vand.u32 $0xFFFF0000, v4;
	v5 =	vand.u32 $0xFFFFFC00, v5;
	(ifvalue) =	ssetifvalue $0x7FFFFFFF  }
0x41: {  	v2 =	vand.u32 $0x380, v2;
	v4 =	vadd.s32 v5, v4;
	[tilespmem:s14], [sflag:$0x1] =	stream.indirect_vreg.gather [hbm4b:s4+s10], $0x1, v1, vm0, $0x4038;
	[tilespmem:$0x800] =	vst v63  }
0x42: {  	v1 =	vand.u32 $0x7F, v3;
	v3 =	vor.u32 v2, v4  }
0x43: {  	s17 =	sadd.s32 $0x10, s17;
	v2 =	vshrl.u32 v0, $0xD;
	v1 =	vor.u32 v1, v3  }
.Ltmp4:
0x44: {  	_ = 	snop;
	(pc) =	sbr.rel .LBB2_4-.Ltmp4, $1  }
0x45: {  	_ =	sdelay $0x3  }
.LBB2_6:
0x46: {  	_ =	sfence.sel $0x180000  }
0x47: {  	s2 =	simm.s32 $0x2;
	[bflag:$0x0] =	sbarrier.arrive $0xFFFF  }
0x48: {  	s30 =	simm.s32 $0x3;
	[sflag:s2] =	ssyncpa.u1 $0x1  }
0x49: {  	s31 =	simm.s32 $0x1;
	[sflag:s30] =	ssyncpa.u1 $0x1  }
0x4a: {  	[sflag:s31] =	ssyncpa.u1 $0x1  }
0x4b: {  	p0 =	sne.s32 s0, $0x0;
	_ =	strace $0x90000047  }
0x4c: {  	s0 =	sadd.s32 @!p0 $0x100000, s1;
	[bflag:$0x2] =	sbarrier.arrive $0xFFFF  }
0x4d: {  	[sflag:s0] =	ssyncadd.tile.s32 @!p0 $0x1;
	_ =	shalt  }
.Lfunc_end2:
_tile_overlayer_lowered:
.L_overlay_start_2:
0x4e: {  	(tag) =	ssettag $0x2  }
0x4f: {  	s0 =	rddreg [dreg:$0x0];
	s2 =	stileid.u32  }
0x50: {  	s1 =	rddreg [dreg:$0x1];
	p0 =	sne.s32 s2, $0x0  }
0x51: {  	s3 =	rddreg [dreg:$0x2];
	[bflag:$0x3] =	sbarrier.arrive $0xFFFF;
	s2 =	simm.s32 @!p0 $0x1C01  }
0x52: {  	[timem:s3], [sflag:s2] =	dma.local @!p0 [hbm:s0], s1  }
0x53: {  	s0 =	simm.s32 @!p0 $0x1  }
0x54: {  	_ =	swait.ge @!p0 [sflag:s0], s1  }
0x55: {  	s1 =	ssub.s32 @!p0 $0x0, s1;
	[sflag:s0] =	ssyncset.done @!p0 $0x0  }
0x56: {  	[sflag:s0] =	ssyncadd.s32 @!p0 s1  }
0x57: {  	[bflag:$0x3] =	sbarrier.arrive $0xFFFF  }
0x58: {  	_ =	shalt  }

</sc_bundles>
